<compile_context>
chip_gen: v7x
topology: tpu7x:2x2x1
jax: 0.10.2.dev20260603
libtpu: 0.0.44.dev20260713+nightly
codegen_flags: <defaults>
</compile_context>

<pallas_src>
import functools

import jax
import jax.numpy as jnp
from jax import lax
from jax.experimental import pallas as pl
from jax.experimental.pallas import tpu as pltpu
from jax.experimental.pallas import tpu_sc as plsc

_EMB = 32
_K = 8192
_CHUNK = 2048
_NCHUNK = _K // _CHUNK
_ROWS = 512
_N = 8192
_NT = _N // _ROWS
_VQ_COMMIT = 0.25

_NW = 32
_BPW = _N // _NW
_ISEG = 128


def _argmin_body(x_ref, w_ref, rs_ref, ind_ref, psq_ref):
    x = x_ref[...]
    w = w_ref[...]
    rs = rs_ref[...]

    cs = jnp.sum(w ** 2, axis=0, keepdims=True)
    mm = jnp.dot(x, w, preferred_element_type=jnp.float32)

    lane_if = jax.lax.broadcasted_iota(
        jnp.int32, (_ROWS, 128), 1).astype(jnp.float32)
    nblk = _CHUNK // 128
    mcs = []
    afs = []
    for c in range(_NCHUNK):
        base = c * _CHUNK
        bestv = rs - 2.0 * mm[:, base:base + 128] + cs[:, base:base + 128]
        besti = lane_if
        for b in range(1, nblk):
            sl = slice(base + b * 128, base + (b + 1) * 128)
            blk = rs - 2.0 * mm[:, sl] + cs[:, sl]
            lt = blk < bestv
            bestv = jnp.where(lt, blk, bestv)
            besti = jnp.where(lt, lane_if + (b * 128.0), besti)
        mv = jnp.min(bestv, axis=1, keepdims=True)
        acf = jnp.min(jnp.where(bestv == mv, besti, float(_CHUNK)), axis=1)
        mcs.append(mv[:, 0])
        afs.append(acf + float(base))

    def _bf(v):
        return v.astype(jnp.bfloat16).astype(jnp.float32)

    t1 = mcs[1] < _bf(mcs[0])
    le = jnp.where(t1, mcs[1], mcs[0])
    li = jnp.where(t1, afs[1], afs[0])
    t3 = mcs[3] < _bf(mcs[2])
    re = jnp.where(t3, mcs[3], mcs[2])
    ri = jnp.where(t3, afs[3], afs[2])
    tr = re < _bf(le)
    selv = jnp.where(tr, re, le)
    accif = jnp.where(tr, ri, li)

    ind_ref[0, 0, :] = accif.astype(jnp.int32)
    psq_ref[...] = jnp.full((1, 1, 1), jnp.sum(selv), jnp.float32)


_sc_mesh = plsc.VectorSubcoreMesh(core_axis_name="c", subcore_axis_name="s")


_ROW128 = 128


@functools.partial(
    pl.kernel, mesh=_sc_mesh,
    out_type=[jax.ShapeDtypeStruct((_N, _ROW128), jnp.float32),
              jax.ShapeDtypeStruct((2, _K), jnp.float32)],
    scratch_types=[pltpu.VMEM((_BPW,), jnp.int32),
                   pltpu.VMEM((_BPW, _ROW128), jnp.float32),
                   pltpu.VMEM((_BPW,), jnp.float32),
                   pltpu.VMEM_SHARED((_K,), jnp.float32),
                   pltpu.SemaphoreType.DMA])
def _sc_gather_hist(table_hbm, idx_hbm, zeros_hbm, ones_hbm, q_hbm, cnt_hbm,
                    idx_v, rows_v, ones_v, shared, sem):
    c = lax.axis_index("c")
    s = lax.axis_index("s")
    wid = s * 2 + c
    base = wid * _BPW
    pltpu.sync_copy(idx_hbm.at[pl.ds(base, _BPW)], idx_v)
    pltpu.sync_copy(ones_hbm.at[pl.ds(0, _BPW)], ones_v)
    for j in range(_BPW // _ISEG):
        pltpu.async_copy(
            table_hbm.at[idx_v.at[pl.ds(j * _ISEG, _ISEG)]],
            rows_v.at[pl.ds(j * _ISEG, _ISEG)], sem).wait()
    pltpu.sync_copy(rows_v, q_hbm.at[pl.ds(base, _BPW)])

    @pl.when(s == 0)
    def _():
        pltpu.sync_copy(zeros_hbm, shared)

    plsc.subcore_barrier()
    for j in range(_BPW // _ISEG):
        pltpu.sync_copy(ones_v.at[pl.ds(j * _ISEG, _ISEG)],
                        shared.at[idx_v.at[pl.ds(j * _ISEG, _ISEG)]],
                        add=True)
    plsc.subcore_barrier()

    @pl.when(s == 0)
    def _():
        pltpu.sync_copy(shared, cnt_hbm.at[c])


def _finish_body(cnt_ref, psq_ref, perp_ref, diff_ref):
    counts = cnt_ref[0:1, :] + cnt_ref[1:2, :]
    avg = counts / _N
    ent = jnp.sum(avg * jnp.log(avg + 1e-10))
    perp_ref[...] = jnp.exp(-jnp.full((1, 1), ent, jnp.float32))
    total = jnp.sum(psq_ref[...]) / (_N * _EMB)
    diff_ref[...] = jnp.full((1, 1), _VQ_COMMIT * total + total, jnp.float32)


def kernel(input, W):
    x = jnp.swapaxes(input, 1, -1)
    flat = x.reshape(-1, _EMB)
    x2 = flat ** 2
    t = x2
    for _lvl in range(5):
        t = t[:, ::2] + t[:, 1::2]
    rowsq = t
    table = jnp.pad(jnp.swapaxes(W, 0, 1),
                    ((0, 0), (0, _ROW128 - _EMB)))

    ind3, psq = pl.pallas_call(
        _argmin_body,
        grid=(_NT,),
        in_specs=[
            pl.BlockSpec((_ROWS, _EMB), lambda i: (i, 0)),
            pl.BlockSpec((_EMB, _K), lambda i: (0, 0)),
            pl.BlockSpec((_ROWS, 1), lambda i: (i, 0)),
        ],
        out_specs=[
            pl.BlockSpec((1, 1, _ROWS), lambda i: (i, 0, 0)),
            pl.BlockSpec((1, 1, 1), lambda i: (i, 0, 0)),
        ],
        out_shape=[
            jax.ShapeDtypeStruct((_NT, 1, _ROWS), jnp.int32),
            jax.ShapeDtypeStruct((_NT, 1, 1), jnp.float32),
        ],
        compiler_params=pltpu.CompilerParams(
            dimension_semantics=("parallel",)),
    )(flat, W, rowsq)

    ind_flat = ind3.reshape(_N)
    zeros = jnp.zeros((_K,), jnp.float32)
    ones = jnp.ones((_BPW,), jnp.float32)
    q_raw, cnt2 = _sc_gather_hist(table, ind_flat, zeros, ones)

    perp, diff = pl.pallas_call(
        _finish_body,
        out_shape=[
            jax.ShapeDtypeStruct((1, 1), jnp.float32),
            jax.ShapeDtypeStruct((1, 1), jnp.float32),
        ],
    )(cnt2, psq.reshape(_NT, 1))

    quantize = jnp.swapaxes(q_raw[:, :_EMB].reshape(x.shape), 1, -1)
    ind_r = ind_flat.reshape(x.shape[:-1])
    return (quantize, diff.reshape(()), ind_r, perp.reshape(()))

# --- scband reference (transcript-rebuilt; emitter-appended) ---
"""Pipeline reference for scband-quantizer-81355270521166 (READ-ONLY COPY).

The authoritative reference and input builder live on the scoring server;
editing this copy changes nothing except your own understanding.
"""

import jax, jax.numpy as jnp
import numpy as np

EMBEDDING_SIZE = 32
NUM_EMBEDDING = 8192
VQ_COMMIT = 0.25


def setup_inputs(seed: int = 0) -> dict:
    key = jax.random.key(seed)
    k1, k2 = jax.random.split(key)
    inp = jax.random.normal(k1, (8, 32, 32, 32), dtype=jnp.float32)
    # embedding weight treated as a matrix of shape [embedding_size, num_embedding]
    # (the torch code uses `flatten @ self.embedding` and `F.embedding(ind, embedding.transpose(0,1))`)
    W = jax.random.uniform(k2, (EMBEDDING_SIZE, NUM_EMBEDDING), dtype=jnp.float32,
                           minval=-1.0 / NUM_EMBEDDING, maxval=1.0 / NUM_EMBEDDING)
    return {"input": inp, "W": W}


def reference(input, W):
    # input: [B, C=embedding_size, H, W]; torch transpose(1, -1) swaps dims 1 and 3
    x = jnp.swapaxes(input, 1, -1)  # [B, W, H, C]
    flatten = x.reshape(-1, EMBEDDING_SIZE)  # [N, C]
    dist = (jnp.sum(flatten ** 2, axis=1, keepdims=True)
            - 2.0 * (flatten @ W)
            + jnp.sum(W ** 2, axis=0, keepdims=True))  # [N, K]
    embedding_ind = jnp.argmin(dist, axis=1)  # [N]
    embedding_onehot = jax.nn.one_hot(embedding_ind, NUM_EMBEDDING, dtype=flatten.dtype)
    embedding_ind_r = embedding_ind.reshape(x.shape[:-1])  # [B, W, H]
    table = jnp.swapaxes(W, 0, 1)  # [K, C]
    quantize = jnp.take(table, embedding_ind_r, axis=0)  # [B, W, H, C]
    diff = (VQ_COMMIT * jnp.mean((jax.lax.stop_gradient(quantize) - x) ** 2)
            + jnp.mean((quantize - jax.lax.stop_gradient(x)) ** 2))
    avg_probs = jnp.mean(embedding_onehot, axis=0)
    perplexity = jnp.exp(-jnp.sum(avg_probs * jnp.log(avg_probs + 1e-10)))
    quantize = x + jax.lax.stop_gradient(quantize - x)  # straight-through
    quantize = jnp.swapaxes(quantize, 1, -1)  # back to [B, C, H, W]
    return (quantize, diff, embedding_ind_r, perplexity)

if __name__ == "__main__":
    import jax
    _d = setup_inputs()
    print(jax.jit(kernel)(*tuple(_d.values())))

</pallas_src>

<mosaic_0001>
#map = affine_map<(d0, d1) -> (0, 0)>
#map1 = affine_map<(d0, d1) -> (0)>
module attributes {stable_mosaic.version = 14 : i64} {
  func.func @_sc_gather_hist(%arg0: i32, %arg1: i32, %arg2: memref<8192x128xf32, #tpu.memory_space<hbm>>, %arg3: memref<8192xi32, #tpu.memory_space<hbm>>, %arg4: memref<8192xf32, #tpu.memory_space<hbm>>, %arg5: memref<256xf32, #tpu.memory_space<hbm>>, %arg6: memref<8192x128xf32, #tpu.memory_space<hbm>>, %arg7: memref<2x8192xf32, #tpu.memory_space<hbm>>, %arg8: memref<256xi32, #tpu.memory_space<vmem>>, %arg9: memref<256x128xf32, #tpu.memory_space<vmem>>, %arg10: memref<256xf32, #tpu.memory_space<vmem>>, %arg11: memref<8192xf32, #tpu.memory_space<vmem_shared>>, %arg12: memref<!tpu.dma_semaphore, #tpu.memory_space<semaphore_mem>>) attributes {dimension_semantics = [#tpu.dimension_semantics<core_parallel>, #tpu.dimension_semantics<subcore_parallel>], iteration_bounds = array<i64: 2, 16>, scalar_prefetch = 0 : i64, scratch_operands = 5 : i64, tpu.core_type = #tpu.core_type<sc_vector_subcore>, window_params = [{transform_indices = #map}, {transform_indices = #map1}, {transform_indices = #map1}, {transform_indices = #map1}, {transform_indices = #map}, {transform_indices = #map}]} {
    %mul3A = arith.constant 2 : i32
    %mul3A_0 = arith.muli %arg1, %mul3A : i32
    %add3A = arith.addi %mul3A_0, %arg0 : i32
    %mul3A_1 = arith.constant 256 : i32
    %mul3A_2 = arith.muli %add3A, %mul3A_1 : i32
    "tpu.region"() ({
      %run_scoped3A = tpu.sem_alloc : memref<!tpu.dma_semaphore, #tpu.memory_space<semaphore_mem>>
      %dma_start3A_41 = tpu.memref_slice %arg3[%mul3A_2] : memref<8192xi32, #tpu.memory_space<hbm>> -> memref<256xi32, #tpu.memory_space<hbm>>
      %dma_start3A_42 = tpu.memref_slice %arg3[%mul3A_2] : memref<8192xi32, #tpu.memory_space<hbm>> -> memref<256xi32, #tpu.memory_space<hbm>>
      tpu.enqueue_dma source(%dma_start3A_42 : memref<256xi32, #tpu.memory_space<hbm>>) target(%arg8 : memref<256xi32, #tpu.memory_space<vmem>>) target_semaphore(%run_scoped3A : memref<!tpu.dma_semaphore, #tpu.memory_space<semaphore_mem>>)
      %dma_wait3A_43 = tpu.memref_slice %arg3[%mul3A_2] : memref<8192xi32, #tpu.memory_space<hbm>> -> memref<256xi32, #tpu.memory_space<hbm>>
      %dma_wait3A_44 = tpu.memref_slice %arg3[%mul3A_2] : memref<8192xi32, #tpu.memory_space<hbm>> -> memref<256xi32, #tpu.memory_space<hbm>>
      tpu.wait_dma2 semaphore(%run_scoped3A : memref<!tpu.dma_semaphore, #tpu.memory_space<semaphore_mem>>) src(%dma_wait3A_44 : memref<256xi32, #tpu.memory_space<hbm>>) dst(%arg8 : memref<256xi32, #tpu.memory_space<vmem>>)
      tpu.yield
    }) : () -> ()
    "tpu.region"() ({
      %run_scoped3A = tpu.sem_alloc : memref<!tpu.dma_semaphore, #tpu.memory_space<semaphore_mem>>
      %dma_start3A_41 = arith.constant 0 : i32
      %dma_start3A_42 = tpu.memref_slice %arg5[%dma_start3A_41] : memref<256xf32, #tpu.memory_space<hbm>> -> memref<256xf32, #tpu.memory_space<hbm>>
      %dma_start3A_43 = arith.constant 0 : i32
      %dma_start3A_44 = tpu.memref_slice %arg5[%dma_start3A_43] : memref<256xf32, #tpu.memory_space<hbm>> -> memref<256xf32, #tpu.memory_space<hbm>>
      tpu.enqueue_dma source(%dma_start3A_44 : memref<256xf32, #tpu.memory_space<hbm>>) target(%arg10 : memref<256xf32, #tpu.memory_space<vmem>>) target_semaphore(%run_scoped3A : memref<!tpu.dma_semaphore, #tpu.memory_space<semaphore_mem>>)
      %dma_wait3A_45 = arith.constant 0 : i32
      %dma_wait3A_46 = tpu.memref_slice %arg5[%dma_wait3A_45] : memref<256xf32, #tpu.memory_space<hbm>> -> memref<256xf32, #tpu.memory_space<hbm>>
      %dma_wait3A_47 = arith.constant 0 : i32
      %dma_wait3A_48 = tpu.memref_slice %arg5[%dma_wait3A_47] : memref<256xf32, #tpu.memory_space<hbm>> -> memref<256xf32, #tpu.memory_space<hbm>>
      tpu.wait_dma2 semaphore(%run_scoped3A : memref<!tpu.dma_semaphore, #tpu.memory_space<semaphore_mem>>) src(%dma_wait3A_48 : memref<256xf32, #tpu.memory_space<hbm>>) dst(%arg10 : memref<256xf32, #tpu.memory_space<vmem>>)
      tpu.yield
    }) : () -> ()
    %dma_start3A = arith.constant 0 : i32
    %dma_start3A_3 = arith.constant 0 : i32
    %dma_start3A_4 = tpu.memref_slice %arg9[%dma_start3A, %dma_start3A_3] : memref<256x128xf32, #tpu.memory_space<vmem>> -> memref<128x128xf32, #tpu.memory_space<vmem>>
    %dma_start3A_5 = arith.constant 0 : i32
    %dma_start3A_6 = tpu.memref_slice %arg8[%dma_start3A_5] : memref<256xi32, #tpu.memory_space<vmem>> -> memref<128xi32, #tpu.memory_space<vmem>>
    %dma_start3A_7 = arith.constant 0 : i32
    %dma_start3A_8 = arith.constant 0 : i32
    %dma_start3A_9 = tpu.memref_slice %arg2[%dma_start3A_7, %dma_start3A_8] : memref<8192x128xf32, #tpu.memory_space<hbm>> -> memref<8192x128xf32, #tpu.memory_space<hbm>>
    tpu.enqueue_indirect_dma source(%dma_start3A_9 : memref<8192x128xf32, #tpu.memory_space<hbm>>) target(%dma_start3A_4 : memref<128x128xf32, #tpu.memory_space<vmem>>) offsets(%dma_start3A_6 : memref<128xi32, #tpu.memory_space<vmem>>) semaphore(%arg12 : memref<!tpu.dma_semaphore, #tpu.memory_space<semaphore_mem>>)
    %dma_wait3A = arith.constant 0 : i32
    %dma_wait3A_10 = arith.constant 0 : i32
    %dma_wait3A_11 = tpu.memref_slice %arg9[%dma_wait3A, %dma_wait3A_10] : memref<256x128xf32, #tpu.memory_space<vmem>> -> memref<128x128xf32, #tpu.memory_space<vmem>>
    %dma_wait3A_12 = arith.constant 0 : i32
    %dma_wait3A_13 = tpu.memref_slice %arg8[%dma_wait3A_12] : memref<256xi32, #tpu.memory_space<vmem>> -> memref<128xi32, #tpu.memory_space<vmem>>
    %dma_wait3A_14 = arith.constant 0 : i32
    %dma_wait3A_15 = arith.constant 0 : i32
    %dma_wait3A_16 = tpu.memref_slice %arg2[%dma_wait3A_14, %dma_wait3A_15] : memref<8192x128xf32, #tpu.memory_space<hbm>> -> memref<8192x128xf32, #tpu.memory_space<hbm>>
    tpu.wait_indirect_dma semaphore(%arg12 : memref<!tpu.dma_semaphore, #tpu.memory_space<semaphore_mem>>) src(%dma_wait3A_16 : memref<8192x128xf32, #tpu.memory_space<hbm>>) dst(%dma_wait3A_11 : memref<128x128xf32, #tpu.memory_space<vmem>>)
    %dma_start3A_17 = arith.constant 128 : i32
    %dma_start3A_18 = arith.constant 0 : i32
    %dma_start3A_19 = tpu.memref_slice %arg9[%dma_start3A_17, %dma_start3A_18] : memref<256x128xf32, #tpu.memory_space<vmem>> -> memref<128x128xf32, #tpu.memory_space<vmem>>
    %dma_start3A_20 = arith.constant 128 : i32
    %dma_start3A_21 = tpu.memref_slice %arg8[%dma_start3A_20] : memref<256xi32, #tpu.memory_space<vmem>> -> memref<128xi32, #tpu.memory_space<vmem>>
    %dma_start3A_22 = arith.constant 0 : i32
    %dma_start3A_23 = arith.constant 0 : i32
    %dma_start3A_24 = tpu.memref_slice %arg2[%dma_start3A_22, %dma_start3A_23] : memref<8192x128xf32, #tpu.memory_space<hbm>> -> memref<8192x128xf32, #tpu.memory_space<hbm>>
    tpu.enqueue_indirect_dma source(%dma_start3A_24 : memref<8192x128xf32, #tpu.memory_space<hbm>>) target(%dma_start3A_19 : memref<128x128xf32, #tpu.memory_space<vmem>>) offsets(%dma_start3A_21 : memref<128xi32, #tpu.memory_space<vmem>>) semaphore(%arg12 : memref<!tpu.dma_semaphore, #tpu.memory_space<semaphore_mem>>)
    %dma_wait3A_25 = arith.constant 128 : i32
    %dma_wait3A_26 = arith.constant 0 : i32
    %dma_wait3A_27 = tpu.memref_slice %arg9[%dma_wait3A_25, %dma_wait3A_26] : memref<256x128xf32, #tpu.memory_space<vmem>> -> memref<128x128xf32, #tpu.memory_space<vmem>>
    %dma_wait3A_28 = arith.constant 128 : i32
    %dma_wait3A_29 = tpu.memref_slice %arg8[%dma_wait3A_28] : memref<256xi32, #tpu.memory_space<vmem>> -> memref<128xi32, #tpu.memory_space<vmem>>
    %dma_wait3A_30 = arith.constant 0 : i32
    %dma_wait3A_31 = arith.constant 0 : i32
    %dma_wait3A_32 = tpu.memref_slice %arg2[%dma_wait3A_30, %dma_wait3A_31] : memref<8192x128xf32, #tpu.memory_space<hbm>> -> memref<8192x128xf32, #tpu.memory_space<hbm>>
    tpu.wait_indirect_dma semaphore(%arg12 : memref<!tpu.dma_semaphore, #tpu.memory_space<semaphore_mem>>) src(%dma_wait3A_32 : memref<8192x128xf32, #tpu.memory_space<hbm>>) dst(%dma_wait3A_27 : memref<128x128xf32, #tpu.memory_space<vmem>>)
    "tpu.region"() ({
      %run_scoped3A = tpu.sem_alloc : memref<!tpu.dma_semaphore, #tpu.memory_space<semaphore_mem>>
      %dma_start3A_41 = arith.constant 0 : i32
      %dma_start3A_42 = tpu.memref_slice %arg6[%mul3A_2, %dma_start3A_41] : memref<8192x128xf32, #tpu.memory_space<hbm>> -> memref<256x128xf32, #tpu.memory_space<hbm>>
      %dma_start3A_43 = arith.constant 0 : i32
      %dma_start3A_44 = tpu.memref_slice %arg6[%mul3A_2, %dma_start3A_43] : memref<8192x128xf32, #tpu.memory_space<hbm>> -> memref<256x128xf32, #tpu.memory_space<hbm>>
      tpu.enqueue_dma source(%arg9 : memref<256x128xf32, #tpu.memory_space<vmem>>) target(%dma_start3A_44 : memref<256x128xf32, #tpu.memory_space<hbm>>) target_semaphore(%run_scoped3A : memref<!tpu.dma_semaphore, #tpu.memory_space<semaphore_mem>>)
      %dma_wait3A_45 = arith.constant 0 : i32
      %dma_wait3A_46 = tpu.memref_slice %arg6[%mul3A_2, %dma_wait3A_45] : memref<8192x128xf32, #tpu.memory_space<hbm>> -> memref<256x128xf32, #tpu.memory_space<hbm>>
      %dma_wait3A_47 = arith.constant 0 : i32
      %dma_wait3A_48 = tpu.memref_slice %arg6[%mul3A_2, %dma_wait3A_47] : memref<8192x128xf32, #tpu.memory_space<hbm>> -> memref<256x128xf32, #tpu.memory_space<hbm>>
      tpu.wait_dma2 semaphore(%run_scoped3A : memref<!tpu.dma_semaphore, #tpu.memory_space<semaphore_mem>>) src(%arg9 : memref<256x128xf32, #tpu.memory_space<vmem>>) dst(%dma_wait3A_48 : memref<256x128xf32, #tpu.memory_space<hbm>>)
      tpu.yield
    }) : () -> ()
    %eq3A = arith.constant 0 : i32
    %eq3A_33 = arith.cmpi eq, %arg1, %eq3A : i32
    %convert_element_type3A = arith.extui %eq3A_33 : i1 to i32
    %cond3A = arith.constant 0 : i32
    %cond3A_34 = arith.cmpi ne, %convert_element_type3A, %cond3A : i32
    scf.if %cond3A_34 {
      "tpu.region"() ({
        %run_scoped3A = tpu.sem_alloc : memref<!tpu.dma_semaphore, #tpu.memory_space<semaphore_mem>>
        tpu.enqueue_dma source(%arg4 : memref<8192xf32, #tpu.memory_space<hbm>>) target(%arg11 : memref<8192xf32, #tpu.memory_space<vmem_shared>>) target_semaphore(%run_scoped3A : memref<!tpu.dma_semaphore, #tpu.memory_space<semaphore_mem>>)
        tpu.wait_dma2 semaphore(%run_scoped3A : memref<!tpu.dma_semaphore, #tpu.memory_space<semaphore_mem>>) src(%arg4 : memref<8192xf32, #tpu.memory_space<hbm>>) dst(%arg11 : memref<8192xf32, #tpu.memory_space<vmem_shared>>)
        tpu.yield
      }) : () -> ()
    } else {
    }
    %barrier3A = arith.constant 0 : index
    tpu.barrier barrier_id(%barrier3A)
    "tpu.region"() ({
      %run_scoped3A = tpu.sem_alloc : memref<!tpu.dma_semaphore, #tpu.memory_space<semaphore_mem>>
      %dma_start3A_41 = arith.constant 0 : i32
      %dma_start3A_42 = tpu.memref_slice %arg10[%dma_start3A_41] : memref<256xf32, #tpu.memory_space<vmem>> -> memref<128xf32, #tpu.memory_space<vmem>>
      %dma_start3A_43 = arith.constant 0 : i32
      %dma_start3A_44 = tpu.memref_slice %arg8[%dma_start3A_43] : memref<256xi32, #tpu.memory_space<vmem>> -> memref<128xi32, #tpu.memory_space<vmem>>
      %dma_start3A_45 = arith.constant 0 : i32
      %dma_start3A_46 = tpu.memref_slice %arg11[%dma_start3A_45] : memref<8192xf32, #tpu.memory_space<vmem_shared>> -> memref<8192xf32, #tpu.memory_space<vmem_shared>>
      tpu.enqueue_indirect_dma source(%dma_start3A_42 : memref<128xf32, #tpu.memory_space<vmem>>) target(%dma_start3A_46 : memref<8192xf32, #tpu.memory_space<vmem_shared>>) offsets(%dma_start3A_44 : memref<128xi32, #tpu.memory_space<vmem>>) semaphore(%run_scoped3A : memref<!tpu.dma_semaphore, #tpu.memory_space<semaphore_mem>>) {add = true}
      %dma_wait3A_47 = arith.constant 0 : i32
      %dma_wait3A_48 = tpu.memref_slice %arg10[%dma_wait3A_47] : memref<256xf32, #tpu.memory_space<vmem>> -> memref<128xf32, #tpu.memory_space<vmem>>
      %dma_wait3A_49 = arith.constant 0 : i32
      %dma_wait3A_50 = tpu.memref_slice %arg8[%dma_wait3A_49] : memref<256xi32, #tpu.memory_space<vmem>> -> memref<128xi32, #tpu.memory_space<vmem>>
      %dma_wait3A_51 = arith.constant 0 : i32
      %dma_wait3A_52 = tpu.memref_slice %arg11[%dma_wait3A_51] : memref<8192xf32, #tpu.memory_space<vmem_shared>> -> memref<8192xf32, #tpu.memory_space<vmem_shared>>
      tpu.wait_indirect_dma semaphore(%run_scoped3A : memref<!tpu.dma_semaphore, #tpu.memory_space<semaphore_mem>>) src(%dma_wait3A_48 : memref<128xf32, #tpu.memory_space<vmem>>) dst(%dma_wait3A_52 : memref<8192xf32, #tpu.memory_space<vmem_shared>>)
      tpu.yield
    }) : () -> ()
    "tpu.region"() ({
      %run_scoped3A = tpu.sem_alloc : memref<!tpu.dma_semaphore, #tpu.memory_space<semaphore_mem>>
      %dma_start3A_41 = arith.constant 128 : i32
      %dma_start3A_42 = tpu.memref_slice %arg10[%dma_start3A_41] : memref<256xf32, #tpu.memory_space<vmem>> -> memref<128xf32, #tpu.memory_space<vmem>>
      %dma_start3A_43 = arith.constant 128 : i32
      %dma_start3A_44 = tpu.memref_slice %arg8[%dma_start3A_43] : memref<256xi32, #tpu.memory_space<vmem>> -> memref<128xi32, #tpu.memory_space<vmem>>
      %dma_start3A_45 = arith.constant 0 : i32
      %dma_start3A_46 = tpu.memref_slice %arg11[%dma_start3A_45] : memref<8192xf32, #tpu.memory_space<vmem_shared>> -> memref<8192xf32, #tpu.memory_space<vmem_shared>>
      tpu.enqueue_indirect_dma source(%dma_start3A_42 : memref<128xf32, #tpu.memory_space<vmem>>) target(%dma_start3A_46 : memref<8192xf32, #tpu.memory_space<vmem_shared>>) offsets(%dma_start3A_44 : memref<128xi32, #tpu.memory_space<vmem>>) semaphore(%run_scoped3A : memref<!tpu.dma_semaphore, #tpu.memory_space<semaphore_mem>>) {add = true}
      %dma_wait3A_47 = arith.constant 128 : i32
      %dma_wait3A_48 = tpu.memref_slice %arg10[%dma_wait3A_47] : memref<256xf32, #tpu.memory_space<vmem>> -> memref<128xf32, #tpu.memory_space<vmem>>
      %dma_wait3A_49 = arith.constant 128 : i32
      %dma_wait3A_50 = tpu.memref_slice %arg8[%dma_wait3A_49] : memref<256xi32, #tpu.memory_space<vmem>> -> memref<128xi32, #tpu.memory_space<vmem>>
      %dma_wait3A_51 = arith.constant 0 : i32
      %dma_wait3A_52 = tpu.memref_slice %arg11[%dma_wait3A_51] : memref<8192xf32, #tpu.memory_space<vmem_shared>> -> memref<8192xf32, #tpu.memory_space<vmem_shared>>
      tpu.wait_indirect_dma semaphore(%run_scoped3A : memref<!tpu.dma_semaphore, #tpu.memory_space<semaphore_mem>>) src(%dma_wait3A_48 : memref<128xf32, #tpu.memory_space<vmem>>) dst(%dma_wait3A_52 : memref<8192xf32, #tpu.memory_space<vmem_shared>>)
      tpu.yield
    }) : () -> ()
    %barrier3A_35 = arith.constant 0 : index
    tpu.barrier barrier_id(%barrier3A_35)
    %eq3A_36 = arith.constant 0 : i32
    %eq3A_37 = arith.cmpi eq, %arg1, %eq3A_36 : i32
    %convert_element_type3A_38 = arith.extui %eq3A_37 : i1 to i32
    %cond3A_39 = arith.constant 0 : i32
    %cond3A_40 = arith.cmpi ne, %convert_element_type3A_38, %cond3A_39 : i32
    scf.if %cond3A_40 {
      "tpu.region"() ({
        %run_scoped3A = tpu.sem_alloc : memref<!tpu.dma_semaphore, #tpu.memory_space<semaphore_mem>>
        %dma_start3A_41 = arith.constant 0 : i32
        %dma_start3A_42 = tpu.memref_slice %arg7[%arg0, %dma_start3A_41] : memref<2x8192xf32, #tpu.memory_space<hbm>> -> memref<1x8192xf32, #tpu.memory_space<hbm>>
        %dma_start3A_43 = tpu.memref_squeeze %dma_start3A_42 : memref<1x8192xf32, #tpu.memory_space<hbm>> -> memref<8192xf32, #tpu.memory_space<hbm>>
        tpu.enqueue_dma source(%arg11 : memref<8192xf32, #tpu.memory_space<vmem_shared>>) target(%dma_start3A_43 : memref<8192xf32, #tpu.memory_space<hbm>>) target_semaphore(%run_scoped3A : memref<!tpu.dma_semaphore, #tpu.memory_space<semaphore_mem>>)
        %dma_wait3A_44 = arith.constant 0 : i32
        %dma_wait3A_45 = tpu.memref_slice %arg7[%arg0, %dma_wait3A_44] : memref<2x8192xf32, #tpu.memory_space<hbm>> -> memref<1x8192xf32, #tpu.memory_space<hbm>>
        %dma_wait3A_46 = tpu.memref_squeeze %dma_wait3A_45 : memref<1x8192xf32, #tpu.memory_space<hbm>> -> memref<8192xf32, #tpu.memory_space<hbm>>
        tpu.wait_dma2 semaphore(%run_scoped3A : memref<!tpu.dma_semaphore, #tpu.memory_space<semaphore_mem>>) src(%arg11 : memref<8192xf32, #tpu.memory_space<vmem_shared>>) dst(%dma_wait3A_46 : memref<8192xf32, #tpu.memory_space<hbm>>)
        tpu.yield
      }) : () -> ()
    } else {
    }
    return
  }
}

module attributes {stable_mosaic.version = 14 : i64} {
  func.func @_argmin_body(%arg0: i32, %arg1: memref<512x32xf32, #tpu.memory_space<vmem>>, %arg2: memref<32x8192xf32, #tpu.memory_space<vmem>>, %arg3: memref<512x1xf32, #tpu.memory_space<vmem>>, %arg4: memref<1x1x512xi32, #tpu.memory_space<vmem>>, %arg5: memref<1x1x1xf32, #tpu.memory_space<vmem>>) attributes {dimension_semantics = [#tpu.dimension_semantics<parallel>], iteration_bounds = array<i64: 16>, scalar_prefetch = 0 : i64, scratch_operands = 0 : i64, tpu.core_type = #tpu.core_type<tc>, window_params = [{transform_indices = @transform_0, window_bounds = array<i64: 512, 32>}, {pipeline_mode = #tpu.pipeline_mode<synchronous>, transform_indices = @transform_1, window_bounds = array<i64: 32, 8192>}, {transform_indices = @transform_2, window_bounds = array<i64: 512, 1>}, {transform_indices = @transform_3, window_bounds = array<i64: 1, 1, 512>}, {transform_indices = @transform_4, window_bounds = array<i64: 1, 1, 1>}]} {
    %get3A = arith.constant 0 : index
    %get3A_0 = arith.constant 0 : index
    %get3A_1 = vector.load %arg1[%get3A, %get3A_0] : memref<512x32xf32, #tpu.memory_space<vmem>>, vector<512x32xf32>
    %get3A_2 = arith.constant 0 : index
    %get3A_3 = arith.constant 0 : index
    %get3A_4 = vector.load %arg2[%get3A_2, %get3A_3] : memref<32x8192xf32, #tpu.memory_space<vmem>>, vector<32x8192xf32>
    %get3A_5 = arith.constant 0 : index
    %get3A_6 = arith.constant 0 : index
    %get3A_7 = vector.load %arg3[%get3A_5, %get3A_6] : memref<512x1xf32, #tpu.memory_space<vmem>>, vector<512x1xf32>
    %integer_pow3A = arith.mulf %get3A_4, %get3A_4 : vector<32x8192xf32>
    %reduce_sum3A = arith.constant dense<0.000000e+00> : vector<8192xf32>
    %reduce_sum3A_8 = vector.multi_reduction <add>, %integer_pow3A, %reduce_sum3A [0] : vector<32x8192xf32> to vector<8192xf32>
    %broadcast_in_dim3A = vector.shape_cast %reduce_sum3A_8 : vector<8192xf32> to vector<1x8192xf32>
    %dot_general3A = arith.constant dense<0.000000e+00> : vector<512x8192xf32>
    %dot_general3A_9 = tpu.matmul %get3A_1, %get3A_4, %dot_general3A {dimension_numbers = #tpu.dot_dimension_numbers<[1], [0], [0], [1], [0, 0, 1, 1], [], []>, transpose_lhs_hint = false} : vector<512x32xf32>, vector<32x8192xf32>, vector<512x8192xf32> -> vector<512x8192xf32>
    %iota3A = tpu.iota {dimensions = array<i32: 1>} : vector<512x128xi32>
    %convert_element_type3A = arith.sitofp %iota3A : vector<512x128xi32> to vector<512x128xf32>
    %slice3A = vector.extract_strided_slice %dot_general3A_9 {offsets = [0, 0], sizes = [512, 128], strides = [1, 1]} : vector<512x8192xf32> to vector<512x128xf32>
    %mul3A = arith.constant 2.000000e+00 : f32
    %mul3A_10 = vector.broadcast %mul3A : f32 to vector<512x128xf32>
    %mul3A_11 = arith.mulf %mul3A_10, %slice3A : vector<512x128xf32>
    %sub3A = vector.broadcast %get3A_7 : vector<512x1xf32> to vector<512x128xf32>
    %sub3A_12 = arith.subf %sub3A, %mul3A_11 : vector<512x128xf32>
    %slice3A_13 = vector.extract_strided_slice %broadcast_in_dim3A {offsets = [0, 0], sizes = [1, 128], strides = [1, 1]} : vector<1x8192xf32> to vector<1x128xf32>
    %add3A = vector.broadcast %slice3A_13 : vector<1x128xf32> to vector<512x128xf32>
    %add3A_14 = arith.addf %sub3A_12, %add3A : vector<512x128xf32>
    %slice3A_15 = vector.extract_strided_slice %dot_general3A_9 {offsets = [0, 128], sizes = [512, 128], strides = [1, 1]} : vector<512x8192xf32> to vector<512x128xf32>
    %mul3A_16 = arith.constant 2.000000e+00 : f32
    %mul3A_17 = vector.broadcast %mul3A_16 : f32 to vector<512x128xf32>
    %mul3A_18 = arith.mulf %mul3A_17, %slice3A_15 : vector<512x128xf32>
    %sub3A_19 = vector.broadcast %get3A_7 : vector<512x1xf32> to vector<512x128xf32>
    %sub3A_20 = arith.subf %sub3A_19, %mul3A_18 : vector<512x128xf32>
    %slice3A_21 = vector.extract_strided_slice %broadcast_in_dim3A {offsets = [0, 128], sizes = [1, 128], strides = [1, 1]} : vector<1x8192xf32> to vector<1x128xf32>
    %add3A_22 = vector.broadcast %slice3A_21 : vector<1x128xf32> to vector<512x128xf32>
    %add3A_23 = arith.addf %sub3A_20, %add3A_22 : vector<512x128xf32>
    %lt3A = arith.cmpf olt, %add3A_23, %add3A_14 : vector<512x128xf32>
    %select_n3A = arith.select %lt3A, %add3A_23, %add3A_14 : vector<512x128xi1>, vector<512x128xf32>
    %add3A_24 = arith.constant 1.280000e+02 : f32
    %add3A_25 = vector.broadcast %add3A_24 : f32 to vector<512x128xf32>
    %add3A_26 = arith.addf %convert_element_type3A, %add3A_25 : vector<512x128xf32>
    %select_n3A_27 = arith.select %lt3A, %add3A_26, %convert_element_type3A : vector<512x128xi1>, vector<512x128xf32>
    %slice3A_28 = vector.extract_strided_slice %dot_general3A_9 {offsets = [0, 256], sizes = [512, 128], strides = [1, 1]} : vector<512x8192xf32> to vector<512x128xf32>
    %mul3A_29 = arith.constant 2.000000e+00 : f32
    %mul3A_30 = vector.broadcast %mul3A_29 : f32 to vector<512x128xf32>
    %mul3A_31 = arith.mulf %mul3A_30, %slice3A_28 : vector<512x128xf32>
    %sub3A_32 = vector.broadcast %get3A_7 : vector<512x1xf32> to vector<512x128xf32>
    %sub3A_33 = arith.subf %sub3A_32, %mul3A_31 : vector<512x128xf32>
    %slice3A_34 = vector.extract_strided_slice %broadcast_in_dim3A {offsets = [0, 256], sizes = [1, 128], strides = [1, 1]} : vector<1x8192xf32> to vector<1x128xf32>
    %add3A_35 = vector.broadcast %slice3A_34 : vector<1x128xf32> to vector<512x128xf32>
    %add3A_36 = arith.addf %sub3A_33, %add3A_35 : vector<512x128xf32>
    %lt3A_37 = arith.cmpf olt, %add3A_36, %select_n3A : vector<512x128xf32>
    %select_n3A_38 = arith.select %lt3A_37, %add3A_36, %select_n3A : vector<512x128xi1>, vector<512x128xf32>
    %add3A_39 = arith.constant 2.560000e+02 : f32
    %add3A_40 = vector.broadcast %add3A_39 : f32 to vector<512x128xf32>
    %add3A_41 = arith.addf %convert_element_type3A, %add3A_40 : vector<512x128xf32>
    %select_n3A_42 = arith.select %lt3A_37, %add3A_41, %select_n3A_27 : vector<512x128xi1>, vector<512x128xf32>
    %slice3A_43 = vector.extract_strided_slice %dot_general3A_9 {offsets = [0, 384], sizes = [512, 128], strides = [1, 1]} : vector<512x8192xf32> to vector<512x128xf32>
    %mul3A_44 = arith.constant 2.000000e+00 : f32
    %mul3A_45 = vector.broadcast %mul3A_44 : f32 to vector<512x128xf32>
    %mul3A_46 = arith.mulf %mul3A_45, %slice3A_43 : vector<512x128xf32>
    %sub3A_47 = vector.broadcast %get3A_7 : vector<512x1xf32> to vector<512x128xf32>
    %sub3A_48 = arith.subf %sub3A_47, %mul3A_46 : vector<512x128xf32>
    %slice3A_49 = vector.extract_strided_slice %broadcast_in_dim3A {offsets = [0, 384], sizes = [1, 128], strides = [1, 1]} : vector<1x8192xf32> to vector<1x128xf32>
    %add3A_50 = vector.broadcast %slice3A_49 : vector<1x128xf32> to vector<512x128xf32>
    %add3A_51 = arith.addf %sub3A_48, %add3A_50 : vector<512x128xf32>
    %lt3A_52 = arith.cmpf olt, %add3A_51, %select_n3A_38 : vector<512x128xf32>
    %select_n3A_53 = arith.select %lt3A_52, %add3A_51, %select_n3A_38 : vector<512x128xi1>, vector<512x128xf32>
    %add3A_54 = arith.constant 3.840000e+02 : f32
    %add3A_55 = vector.broadcast %add3A_54 : f32 to vector<512x128xf32>
    %add3A_56 = arith.addf %convert_element_type3A, %add3A_55 : vector<512x128xf32>
    %select_n3A_57 = arith.select %lt3A_52, %add3A_56, %select_n3A_42 : vector<512x128xi1>, vector<512x128xf32>
    %slice3A_58 = vector.extract_strided_slice %dot_general3A_9 {offsets = [0, 512], sizes = [512, 128], strides = [1, 1]} : vector<512x8192xf32> to vector<512x128xf32>
    %mul3A_59 = arith.constant 2.000000e+00 : f32
    %mul3A_60 = vector.broadcast %mul3A_59 : f32 to vector<512x128xf32>
    %mul3A_61 = arith.mulf %mul3A_60, %slice3A_58 : vector<512x128xf32>
    %sub3A_62 = vector.broadcast %get3A_7 : vector<512x1xf32> to vector<512x128xf32>
    %sub3A_63 = arith.subf %sub3A_62, %mul3A_61 : vector<512x128xf32>
    %slice3A_64 = vector.extract_strided_slice %broadcast_in_dim3A {offsets = [0, 512], sizes = [1, 128], strides = [1, 1]} : vector<1x8192xf32> to vector<1x128xf32>
    %add3A_65 = vector.broadcast %slice3A_64 : vector<1x128xf32> to vector<512x128xf32>
    %add3A_66 = arith.addf %sub3A_63, %add3A_65 : vector<512x128xf32>
    %lt3A_67 = arith.cmpf olt, %add3A_66, %select_n3A_53 : vector<512x128xf32>
    %select_n3A_68 = arith.select %lt3A_67, %add3A_66, %select_n3A_53 : vector<512x128xi1>, vector<512x128xf32>
    %add3A_69 = arith.constant 5.120000e+02 : f32
    %add3A_70 = vector.broadcast %add3A_69 : f32 to vector<512x128xf32>
    %add3A_71 = arith.addf %convert_element_type3A, %add3A_70 : vector<512x128xf32>
    %select_n3A_72 = arith.select %lt3A_67, %add3A_71, %select_n3A_57 : vector<512x128xi1>, vector<512x128xf32>
    %slice3A_73 = vector.extract_strided_slice %dot_general3A_9 {offsets = [0, 640], sizes = [512, 128], strides = [1, 1]} : vector<512x8192xf32> to vector<512x128xf32>
    %mul3A_74 = arith.constant 2.000000e+00 : f32
    %mul3A_75 = vector.broadcast %mul3A_74 : f32 to vector<512x128xf32>
    %mul3A_76 = arith.mulf %mul3A_75, %slice3A_73 : vector<512x128xf32>
    %sub3A_77 = vector.broadcast %get3A_7 : vector<512x1xf32> to vector<512x128xf32>
    %sub3A_78 = arith.subf %sub3A_77, %mul3A_76 : vector<512x128xf32>
    %slice3A_79 = vector.extract_strided_slice %broadcast_in_dim3A {offsets = [0, 640], sizes = [1, 128], strides = [1, 1]} : vector<1x8192xf32> to vector<1x128xf32>
    %add3A_80 = vector.broadcast %slice3A_79 : vector<1x128xf32> to vector<512x128xf32>
    %add3A_81 = arith.addf %sub3A_78, %add3A_80 : vector<512x128xf32>
    %lt3A_82 = arith.cmpf olt, %add3A_81, %select_n3A_68 : vector<512x128xf32>
    %select_n3A_83 = arith.select %lt3A_82, %add3A_81, %select_n3A_68 : vector<512x128xi1>, vector<512x128xf32>
    %add3A_84 = arith.constant 6.400000e+02 : f32
    %add3A_85 = vector.broadcast %add3A_84 : f32 to vector<512x128xf32>
    %add3A_86 = arith.addf %convert_element_type3A, %add3A_85 : vector<512x128xf32>
    %select_n3A_87 = arith.select %lt3A_82, %add3A_86, %select_n3A_72 : vector<512x128xi1>, vector<512x128xf32>
    %slice3A_88 = vector.extract_strided_slice %dot_general3A_9 {offsets = [0, 768], sizes = [512, 128], strides = [1, 1]} : vector<512x8192xf32> to vector<512x128xf32>
    %mul3A_89 = arith.constant 2.000000e+00 : f32
    %mul3A_90 = vector.broadcast %mul3A_89 : f32 to vector<512x128xf32>
    %mul3A_91 = arith.mulf %mul3A_90, %slice3A_88 : vector<512x128xf32>
    %sub3A_92 = vector.broadcast %get3A_7 : vector<512x1xf32> to vector<512x128xf32>
    %sub3A_93 = arith.subf %sub3A_92, %mul3A_91 : vector<512x128xf32>
    %slice3A_94 = vector.extract_strided_slice %broadcast_in_dim3A {offsets = [0, 768], sizes = [1, 128], strides = [1, 1]} : vector<1x8192xf32> to vector<1x128xf32>
    %add3A_95 = vector.broadcast %slice3A_94 : vector<1x128xf32> to vector<512x128xf32>
    %add3A_96 = arith.addf %sub3A_93, %add3A_95 : vector<512x128xf32>
    %lt3A_97 = arith.cmpf olt, %add3A_96, %select_n3A_83 : vector<512x128xf32>
    %select_n3A_98 = arith.select %lt3A_97, %add3A_96, %select_n3A_83 : vector<512x128xi1>, vector<512x128xf32>
    %add3A_99 = arith.constant 7.680000e+02 : f32
    %add3A_100 = vector.broadcast %add3A_99 : f32 to vector<512x128xf32>
    %add3A_101 = arith.addf %convert_element_type3A, %add3A_100 : vector<512x128xf32>
    %select_n3A_102 = arith.select %lt3A_97, %add3A_101, %select_n3A_87 : vector<512x128xi1>, vector<512x128xf32>
    %slice3A_103 = vector.extract_strided_slice %dot_general3A_9 {offsets = [0, 896], sizes = [512, 128], strides = [1, 1]} : vector<512x8192xf32> to vector<512x128xf32>
    %mul3A_104 = arith.constant 2.000000e+00 : f32
    %mul3A_105 = vector.broadcast %mul3A_104 : f32 to vector<512x128xf32>
    %mul3A_106 = arith.mulf %mul3A_105, %slice3A_103 : vector<512x128xf32>
    %sub3A_107 = vector.broadcast %get3A_7 : vector<512x1xf32> to vector<512x128xf32>
    %sub3A_108 = arith.subf %sub3A_107, %mul3A_106 : vector<512x128xf32>
    %slice3A_109 = vector.extract_strided_slice %broadcast_in_dim3A {offsets = [0, 896], sizes = [1, 128], strides = [1, 1]} : vector<1x8192xf32> to vector<1x128xf32>
    %add3A_110 = vector.broadcast %slice3A_109 : vector<1x128xf32> to vector<512x128xf32>
    %add3A_111 = arith.addf %sub3A_108, %add3A_110 : vector<512x128xf32>
    %lt3A_112 = arith.cmpf olt, %add3A_111, %select_n3A_98 : vector<512x128xf32>
    %select_n3A_113 = arith.select %lt3A_112, %add3A_111, %select_n3A_98 : vector<512x128xi1>, vector<512x128xf32>
    %add3A_114 = arith.constant 8.960000e+02 : f32
    %add3A_115 = vector.broadcast %add3A_114 : f32 to vector<512x128xf32>
    %add3A_116 = arith.addf %convert_element_type3A, %add3A_115 : vector<512x128xf32>
    %select_n3A_117 = arith.select %lt3A_112, %add3A_116, %select_n3A_102 : vector<512x128xi1>, vector<512x128xf32>
    %slice3A_118 = vector.extract_strided_slice %dot_general3A_9 {offsets = [0, 1024], sizes = [512, 128], strides = [1, 1]} : vector<512x8192xf32> to vector<512x128xf32>
    %mul3A_119 = arith.constant 2.000000e+00 : f32
    %mul3A_120 = vector.broadcast %mul3A_119 : f32 to vector<512x128xf32>
    %mul3A_121 = arith.mulf %mul3A_120, %slice3A_118 : vector<512x128xf32>
    %sub3A_122 = vector.broadcast %get3A_7 : vector<512x1xf32> to vector<512x128xf32>
    %sub3A_123 = arith.subf %sub3A_122, %mul3A_121 : vector<512x128xf32>
    %slice3A_124 = vector.extract_strided_slice %broadcast_in_dim3A {offsets = [0, 1024], sizes = [1, 128], strides = [1, 1]} : vector<1x8192xf32> to vector<1x128xf32>
    %add3A_125 = vector.broadcast %slice3A_124 : vector<1x128xf32> to vector<512x128xf32>
    %add3A_126 = arith.addf %sub3A_123, %add3A_125 : vector<512x128xf32>
    %lt3A_127 = arith.cmpf olt, %add3A_126, %select_n3A_113 : vector<512x128xf32>
    %select_n3A_128 = arith.select %lt3A_127, %add3A_126, %select_n3A_113 : vector<512x128xi1>, vector<512x128xf32>
    %add3A_129 = arith.constant 1.024000e+03 : f32
    %add3A_130 = vector.broadcast %add3A_129 : f32 to vector<512x128xf32>
    %add3A_131 = arith.addf %convert_element_type3A, %add3A_130 : vector<512x128xf32>
    %select_n3A_132 = arith.select %lt3A_127, %add3A_131, %select_n3A_117 : vector<512x128xi1>, vector<512x128xf32>
    %slice3A_133 = vector.extract_strided_slice %dot_general3A_9 {offsets = [0, 1152], sizes = [512, 128], strides = [1, 1]} : vector<512x8192xf32> to vector<512x128xf32>
    %mul3A_134 = arith.constant 2.000000e+00 : f32
    %mul3A_135 = vector.broadcast %mul3A_134 : f32 to vector<512x128xf32>
    %mul3A_136 = arith.mulf %mul3A_135, %slice3A_133 : vector<512x128xf32>
    %sub3A_137 = vector.broadcast %get3A_7 : vector<512x1xf32> to vector<512x128xf32>
    %sub3A_138 = arith.subf %sub3A_137, %mul3A_136 : vector<512x128xf32>
    %slice3A_139 = vector.extract_strided_slice %broadcast_in_dim3A {offsets = [0, 1152], sizes = [1, 128], strides = [1, 1]} : vector<1x8192xf32> to vector<1x128xf32>
    %add3A_140 = vector.broadcast %slice3A_139 : vector<1x128xf32> to vector<512x128xf32>
    %add3A_141 = arith.addf %sub3A_138, %add3A_140 : vector<512x128xf32>
    %lt3A_142 = arith.cmpf olt, %add3A_141, %select_n3A_128 : vector<512x128xf32>
    %select_n3A_143 = arith.select %lt3A_142, %add3A_141, %select_n3A_128 : vector<512x128xi1>, vector<512x128xf32>
    %add3A_144 = arith.constant 1.152000e+03 : f32
    %add3A_145 = vector.broadcast %add3A_144 : f32 to vector<512x128xf32>
    %add3A_146 = arith.addf %convert_element_type3A, %add3A_145 : vector<512x128xf32>
    %select_n3A_147 = arith.select %lt3A_142, %add3A_146, %select_n3A_132 : vector<512x128xi1>, vector<512x128xf32>
    %slice3A_148 = vector.extract_strided_slice %dot_general3A_9 {offsets = [0, 1280], sizes = [512, 128], strides = [1, 1]} : vector<512x8192xf32> to vector<512x128xf32>
    %mul3A_149 = arith.constant 2.000000e+00 : f32
    %mul3A_150 = vector.broadcast %mul3A_149 : f32 to vector<512x128xf32>
    %mul3A_151 = arith.mulf %mul3A_150, %slice3A_148 : vector<512x128xf32>
    %sub3A_152 = vector.broadcast %get3A_7 : vector<512x1xf32> to vector<512x128xf32>
    %sub3A_153 = arith.subf %sub3A_152, %mul3A_151 : vector<512x128xf32>
    %slice3A_154 = vector.extract_strided_slice %broadcast_in_dim3A {offsets = [0, 1280], sizes = [1, 128], strides = [1, 1]} : vector<1x8192xf32> to vector<1x128xf32>
    %add3A_155 = vector.broadcast %slice3A_154 : vector<1x128xf32> to vector<512x128xf32>
    %add3A_156 = arith.addf %sub3A_153, %add3A_155 : vector<512x128xf32>
    %lt3A_157 = arith.cmpf olt, %add3A_156, %select_n3A_143 : vector<512x128xf32>
    %select_n3A_158 = arith.select %lt3A_157, %add3A_156, %select_n3A_143 : vector<512x128xi1>, vector<512x128xf32>
    %add3A_159 = arith.constant 1.280000e+03 : f32
    %add3A_160 = vector.broadcast %add3A_159 : f32 to vector<512x128xf32>
    %add3A_161 = arith.addf %convert_element_type3A, %add3A_160 : vector<512x128xf32>
    %select_n3A_162 = arith.select %lt3A_157, %add3A_161, %select_n3A_147 : vector<512x128xi1>, vector<512x128xf32>
    %slice3A_163 = vector.extract_strided_slice %dot_general3A_9 {offsets = [0, 1408], sizes = [512, 128], strides = [1, 1]} : vector<512x8192xf32> to vector<512x128xf32>
    %mul3A_164 = arith.constant 2.000000e+00 : f32
    %mul3A_165 = vector.broadcast %mul3A_164 : f32 to vector<512x128xf32>
    %mul3A_166 = arith.mulf %mul3A_165, %slice3A_163 : vector<512x128xf32>
    %sub3A_167 = vector.broadcast %get3A_7 : vector<512x1xf32> to vector<512x128xf32>
    %sub3A_168 = arith.subf %sub3A_167, %mul3A_166 : vector<512x128xf32>
    %slice3A_169 = vector.extract_strided_slice %broadcast_in_dim3A {offsets = [0, 1408], sizes = [1, 128], strides = [1, 1]} : vector<1x8192xf32> to vector<1x128xf32>
    %add3A_170 = vector.broadcast %slice3A_169 : vector<1x128xf32> to vector<512x128xf32>
    %add3A_171 = arith.addf %sub3A_168, %add3A_170 : vector<512x128xf32>
    %lt3A_172 = arith.cmpf olt, %add3A_171, %select_n3A_158 : vector<512x128xf32>
    %select_n3A_173 = arith.select %lt3A_172, %add3A_171, %select_n3A_158 : vector<512x128xi1>, vector<512x128xf32>
    %add3A_174 = arith.constant 1.408000e+03 : f32
    %add3A_175 = vector.broadcast %add3A_174 : f32 to vector<512x128xf32>
    %add3A_176 = arith.addf %convert_element_type3A, %add3A_175 : vector<512x128xf32>
    %select_n3A_177 = arith.select %lt3A_172, %add3A_176, %select_n3A_162 : vector<512x128xi1>, vector<512x128xf32>
    %slice3A_178 = vector.extract_strided_slice %dot_general3A_9 {offsets = [0, 1536], sizes = [512, 128], strides = [1, 1]} : vector<512x8192xf32> to vector<512x128xf32>
    %mul3A_179 = arith.constant 2.000000e+00 : f32
    %mul3A_180 = vector.broadcast %mul3A_179 : f32 to vector<512x128xf32>
    %mul3A_181 = arith.mulf %mul3A_180, %slice3A_178 : vector<512x128xf32>
    %sub3A_182 = vector.broadcast %get3A_7 : vector<512x1xf32> to vector<512x128xf32>
    %sub3A_183 = arith.subf %sub3A_182, %mul3A_181 : vector<512x128xf32>
    %slice3A_184 = vector.extract_strided_slice %broadcast_in_dim3A {offsets = [0, 1536], sizes = [1, 128], strides = [1, 1]} : vector<1x8192xf32> to vector<1x128xf32>
    %add3A_185 = vector.broadcast %slice3A_184 : vector<1x128xf32> to vector<512x128xf32>
    %add3A_186 = arith.addf %sub3A_183, %add3A_185 : vector<512x128xf32>
    %lt3A_187 = arith.cmpf olt, %add3A_186, %select_n3A_173 : vector<512x128xf32>
    %select_n3A_188 = arith.select %lt3A_187, %add3A_186, %select_n3A_173 : vector<512x128xi1>, vector<512x128xf32>
    %add3A_189 = arith.constant 1.536000e+03 : f32
    %add3A_190 = vector.broadcast %add3A_189 : f32 to vector<512x128xf32>
    %add3A_191 = arith.addf %convert_element_type3A, %add3A_190 : vector<512x128xf32>
    %select_n3A_192 = arith.select %lt3A_187, %add3A_191, %select_n3A_177 : vector<512x128xi1>, vector<512x128xf32>
    %slice3A_193 = vector.extract_strided_slice %dot_general3A_9 {offsets = [0, 1664], sizes = [512, 128], strides = [1, 1]} : vector<512x8192xf32> to vector<512x128xf32>
    %mul3A_194 = arith.constant 2.000000e+00 : f32
    %mul3A_195 = vector.broadcast %mul3A_194 : f32 to vector<512x128xf32>
    %mul3A_196 = arith.mulf %mul3A_195, %slice3A_193 : vector<512x128xf32>
    %sub3A_197 = vector.broadcast %get3A_7 : vector<512x1xf32> to vector<512x128xf32>
    %sub3A_198 = arith.subf %sub3A_197, %mul3A_196 : vector<512x128xf32>
    %slice3A_199 = vector.extract_strided_slice %broadcast_in_dim3A {offsets = [0, 1664], sizes = [1, 128], strides = [1, 1]} : vector<1x8192xf32> to vector<1x128xf32>
    %add3A_200 = vector.broadcast %slice3A_199 : vector<1x128xf32> to vector<512x128xf32>
    %add3A_201 = arith.addf %sub3A_198, %add3A_200 : vector<512x128xf32>
    %lt3A_202 = arith.cmpf olt, %add3A_201, %select_n3A_188 : vector<512x128xf32>
    %select_n3A_203 = arith.select %lt3A_202, %add3A_201, %select_n3A_188 : vector<512x128xi1>, vector<512x128xf32>
    %add3A_204 = arith.constant 1.664000e+03 : f32
    %add3A_205 = vector.broadcast %add3A_204 : f32 to vector<512x128xf32>
    %add3A_206 = arith.addf %convert_element_type3A, %add3A_205 : vector<512x128xf32>
    %select_n3A_207 = arith.select %lt3A_202, %add3A_206, %select_n3A_192 : vector<512x128xi1>, vector<512x128xf32>
    %slice3A_208 = vector.extract_strided_slice %dot_general3A_9 {offsets = [0, 1792], sizes = [512, 128], strides = [1, 1]} : vector<512x8192xf32> to vector<512x128xf32>
    %mul3A_209 = arith.constant 2.000000e+00 : f32
    %mul3A_210 = vector.broadcast %mul3A_209 : f32 to vector<512x128xf32>
    %mul3A_211 = arith.mulf %mul3A_210, %slice3A_208 : vector<512x128xf32>
    %sub3A_212 = vector.broadcast %get3A_7 : vector<512x1xf32> to vector<512x128xf32>
    %sub3A_213 = arith.subf %sub3A_212, %mul3A_211 : vector<512x128xf32>
    %slice3A_214 = vector.extract_strided_slice %broadcast_in_dim3A {offsets = [0, 1792], sizes = [1, 128], strides = [1, 1]} : vector<1x8192xf32> to vector<1x128xf32>
    %add3A_215 = vector.broadcast %slice3A_214 : vector<1x128xf32> to vector<512x128xf32>
    %add3A_216 = arith.addf %sub3A_213, %add3A_215 : vector<512x128xf32>
    %lt3A_217 = arith.cmpf olt, %add3A_216, %select_n3A_203 : vector<512x128xf32>
    %select_n3A_218 = arith.select %lt3A_217, %add3A_216, %select_n3A_203 : vector<512x128xi1>, vector<512x128xf32>
    %add3A_219 = arith.constant 1.792000e+03 : f32
    %add3A_220 = vector.broadcast %add3A_219 : f32 to vector<512x128xf32>
    %add3A_221 = arith.addf %convert_element_type3A, %add3A_220 : vector<512x128xf32>
    %select_n3A_222 = arith.select %lt3A_217, %add3A_221, %select_n3A_207 : vector<512x128xi1>, vector<512x128xf32>
    %slice3A_223 = vector.extract_strided_slice %dot_general3A_9 {offsets = [0, 1920], sizes = [512, 128], strides = [1, 1]} : vector<512x8192xf32> to vector<512x128xf32>
    %mul3A_224 = arith.constant 2.000000e+00 : f32
    %mul3A_225 = vector.broadcast %mul3A_224 : f32 to vector<512x128xf32>
    %mul3A_226 = arith.mulf %mul3A_225, %slice3A_223 : vector<512x128xf32>
    %sub3A_227 = vector.broadcast %get3A_7 : vector<512x1xf32> to vector<512x128xf32>
    %sub3A_228 = arith.subf %sub3A_227, %mul3A_226 : vector<512x128xf32>
    %slice3A_229 = vector.extract_strided_slice %broadcast_in_dim3A {offsets = [0, 1920], sizes = [1, 128], strides = [1, 1]} : vector<1x8192xf32> to vector<1x128xf32>
    %add3A_230 = vector.broadcast %slice3A_229 : vector<1x128xf32> to vector<512x128xf32>
    %add3A_231 = arith.addf %sub3A_228, %add3A_230 : vector<512x128xf32>
    %lt3A_232 = arith.cmpf olt, %add3A_231, %select_n3A_218 : vector<512x128xf32>
    %select_n3A_233 = arith.select %lt3A_232, %add3A_231, %select_n3A_218 : vector<512x128xi1>, vector<512x128xf32>
    %add3A_234 = arith.constant 1.920000e+03 : f32
    %add3A_235 = vector.broadcast %add3A_234 : f32 to vector<512x128xf32>
    %add3A_236 = arith.addf %convert_element_type3A, %add3A_235 : vector<512x128xf32>
    %select_n3A_237 = arith.select %lt3A_232, %add3A_236, %select_n3A_222 : vector<512x128xi1>, vector<512x128xf32>
    %reduce_min3A = arith.constant dense<0x7F800000> : vector<512xf32>
    %reduce_min3A_238 = vector.multi_reduction <minimumf>, %select_n3A_233, %reduce_min3A [1] : vector<512x128xf32> to vector<512xf32>
    %broadcast_in_dim3A_239 = vector.shape_cast %reduce_min3A_238 : vector<512xf32> to vector<512x1xf32>
    %eq3A = vector.broadcast %broadcast_in_dim3A_239 : vector<512x1xf32> to vector<512x128xf32>
    %eq3A_240 = arith.cmpf oeq, %select_n3A_233, %eq3A : vector<512x128xf32>
    %jit3A = arith.constant 2.048000e+03 : f32
    %broadcast_in_dim3A_241 = vector.broadcast %jit3A : f32 to vector<512x128xf32>
    %select_n3A_242 = arith.select %eq3A_240, %select_n3A_237, %broadcast_in_dim3A_241 : vector<512x128xi1>, vector<512x128xf32>
    %reduce_min3A_243 = arith.constant dense<0x7F800000> : vector<512xf32>
    %reduce_min3A_244 = vector.multi_reduction <minimumf>, %select_n3A_242, %reduce_min3A_243 [1] : vector<512x128xf32> to vector<512xf32>
    %squeeze3A = vector.shape_cast %broadcast_in_dim3A_239 : vector<512x1xf32> to vector<512xf32>
    %add3A_245 = arith.constant 0.000000e+00 : f32
    %add3A_246 = vector.broadcast %add3A_245 : f32 to vector<512xf32>
    %add3A_247 = arith.addf %reduce_min3A_244, %add3A_246 : vector<512xf32>
    %slice3A_248 = vector.extract_strided_slice %dot_general3A_9 {offsets = [0, 2048], sizes = [512, 128], strides = [1, 1]} : vector<512x8192xf32> to vector<512x128xf32>
    %mul3A_249 = arith.constant 2.000000e+00 : f32
    %mul3A_250 = vector.broadcast %mul3A_249 : f32 to vector<512x128xf32>
    %mul3A_251 = arith.mulf %mul3A_250, %slice3A_248 : vector<512x128xf32>
    %sub3A_252 = vector.broadcast %get3A_7 : vector<512x1xf32> to vector<512x128xf32>
    %sub3A_253 = arith.subf %sub3A_252, %mul3A_251 : vector<512x128xf32>
    %slice3A_254 = vector.extract_strided_slice %broadcast_in_dim3A {offsets = [0, 2048], sizes = [1, 128], strides = [1, 1]} : vector<1x8192xf32> to vector<1x128xf32>
    %add3A_255 = vector.broadcast %slice3A_254 : vector<1x128xf32> to vector<512x128xf32>
    %add3A_256 = arith.addf %sub3A_253, %add3A_255 : vector<512x128xf32>
    %slice3A_257 = vector.extract_strided_slice %dot_general3A_9 {offsets = [0, 2176], sizes = [512, 128], strides = [1, 1]} : vector<512x8192xf32> to vector<512x128xf32>
    %mul3A_258 = arith.constant 2.000000e+00 : f32
    %mul3A_259 = vector.broadcast %mul3A_258 : f32 to vector<512x128xf32>
    %mul3A_260 = arith.mulf %mul3A_259, %slice3A_257 : vector<512x128xf32>
    %sub3A_261 = vector.broadcast %get3A_7 : vector<512x1xf32> to vector<512x128xf32>
    %sub3A_262 = arith.subf %sub3A_261, %mul3A_260 : vector<512x128xf32>
    %slice3A_263 = vector.extract_strided_slice %broadcast_in_dim3A {offsets = [0, 2176], sizes = [1, 128], strides = [1, 1]} : vector<1x8192xf32> to vector<1x128xf32>
    %add3A_264 = vector.broadcast %slice3A_263 : vector<1x128xf32> to vector<512x128xf32>
    %add3A_265 = arith.addf %sub3A_262, %add3A_264 : vector<512x128xf32>
    %lt3A_266 = arith.cmpf olt, %add3A_265, %add3A_256 : vector<512x128xf32>
    %select_n3A_267 = arith.select %lt3A_266, %add3A_265, %add3A_256 : vector<512x128xi1>, vector<512x128xf32>
    %add3A_268 = arith.constant 1.280000e+02 : f32
    %add3A_269 = vector.broadcast %add3A_268 : f32 to vector<512x128xf32>
    %add3A_270 = arith.addf %convert_element_type3A, %add3A_269 : vector<512x128xf32>
    %select_n3A_271 = arith.select %lt3A_266, %add3A_270, %convert_element_type3A : vector<512x128xi1>, vector<512x128xf32>
    %slice3A_272 = vector.extract_strided_slice %dot_general3A_9 {offsets = [0, 2304], sizes = [512, 128], strides = [1, 1]} : vector<512x8192xf32> to vector<512x128xf32>
    %mul3A_273 = arith.constant 2.000000e+00 : f32
    %mul3A_274 = vector.broadcast %mul3A_273 : f32 to vector<512x128xf32>
    %mul3A_275 = arith.mulf %mul3A_274, %slice3A_272 : vector<512x128xf32>
    %sub3A_276 = vector.broadcast %get3A_7 : vector<512x1xf32> to vector<512x128xf32>
    %sub3A_277 = arith.subf %sub3A_276, %mul3A_275 : vector<512x128xf32>
    %slice3A_278 = vector.extract_strided_slice %broadcast_in_dim3A {offsets = [0, 2304], sizes = [1, 128], strides = [1, 1]} : vector<1x8192xf32> to vector<1x128xf32>
    %add3A_279 = vector.broadcast %slice3A_278 : vector<1x128xf32> to vector<512x128xf32>
    %add3A_280 = arith.addf %sub3A_277, %add3A_279 : vector<512x128xf32>
    %lt3A_281 = arith.cmpf olt, %add3A_280, %select_n3A_267 : vector<512x128xf32>
    %select_n3A_282 = arith.select %lt3A_281, %add3A_280, %select_n3A_267 : vector<512x128xi1>, vector<512x128xf32>
    %add3A_283 = arith.constant 2.560000e+02 : f32
    %add3A_284 = vector.broadcast %add3A_283 : f32 to vector<512x128xf32>
    %add3A_285 = arith.addf %convert_element_type3A, %add3A_284 : vector<512x128xf32>
    %select_n3A_286 = arith.select %lt3A_281, %add3A_285, %select_n3A_271 : vector<512x128xi1>, vector<512x128xf32>
    %slice3A_287 = vector.extract_strided_slice %dot_general3A_9 {offsets = [0, 2432], sizes = [512, 128], strides = [1, 1]} : vector<512x8192xf32> to vector<512x128xf32>
    %mul3A_288 = arith.constant 2.000000e+00 : f32
    %mul3A_289 = vector.broadcast %mul3A_288 : f32 to vector<512x128xf32>
    %mul3A_290 = arith.mulf %mul3A_289, %slice3A_287 : vector<512x128xf32>
    %sub3A_291 = vector.broadcast %get3A_7 : vector<512x1xf32> to vector<512x128xf32>
    %sub3A_292 = arith.subf %sub3A_291, %mul3A_290 : vector<512x128xf32>
    %slice3A_293 = vector.extract_strided_slice %broadcast_in_dim3A {offsets = [0, 2432], sizes = [1, 128], strides = [1, 1]} : vector<1x8192xf32> to vector<1x128xf32>
    %add3A_294 = vector.broadcast %slice3A_293 : vector<1x128xf32> to vector<512x128xf32>
    %add3A_295 = arith.addf %sub3A_292, %add3A_294 : vector<512x128xf32>
    %lt3A_296 = arith.cmpf olt, %add3A_295, %select_n3A_282 : vector<512x128xf32>
    %select_n3A_297 = arith.select %lt3A_296, %add3A_295, %select_n3A_282 : vector<512x128xi1>, vector<512x128xf32>
    %add3A_298 = arith.constant 3.840000e+02 : f32
    %add3A_299 = vector.broadcast %add3A_298 : f32 to vector<512x128xf32>
    %add3A_300 = arith.addf %convert_element_type3A, %add3A_299 : vector<512x128xf32>
    %select_n3A_301 = arith.select %lt3A_296, %add3A_300, %select_n3A_286 : vector<512x128xi1>, vector<512x128xf32>
    %slice3A_302 = vector.extract_strided_slice %dot_general3A_9 {offsets = [0, 2560], sizes = [512, 128], strides = [1, 1]} : vector<512x8192xf32> to vector<512x128xf32>
    %mul3A_303 = arith.constant 2.000000e+00 : f32
    %mul3A_304 = vector.broadcast %mul3A_303 : f32 to vector<512x128xf32>
    %mul3A_305 = arith.mulf %mul3A_304, %slice3A_302 : vector<512x128xf32>
    %sub3A_306 = vector.broadcast %get3A_7 : vector<512x1xf32> to vector<512x128xf32>
    %sub3A_307 = arith.subf %sub3A_306, %mul3A_305 : vector<512x128xf32>
    %slice3A_308 = vector.extract_strided_slice %broadcast_in_dim3A {offsets = [0, 2560], sizes = [1, 128], strides = [1, 1]} : vector<1x8192xf32> to vector<1x128xf32>
    %add3A_309 = vector.broadcast %slice3A_308 : vector<1x128xf32> to vector<512x128xf32>
    %add3A_310 = arith.addf %sub3A_307, %add3A_309 : vector<512x128xf32>
    %lt3A_311 = arith.cmpf olt, %add3A_310, %select_n3A_297 : vector<512x128xf32>
    %select_n3A_312 = arith.select %lt3A_311, %add3A_310, %select_n3A_297 : vector<512x128xi1>, vector<512x128xf32>
    %add3A_313 = arith.constant 5.120000e+02 : f32
    %add3A_314 = vector.broadcast %add3A_313 : f32 to vector<512x128xf32>
    %add3A_315 = arith.addf %convert_element_type3A, %add3A_314 : vector<512x128xf32>
    %select_n3A_316 = arith.select %lt3A_311, %add3A_315, %select_n3A_301 : vector<512x128xi1>, vector<512x128xf32>
    %slice3A_317 = vector.extract_strided_slice %dot_general3A_9 {offsets = [0, 2688], sizes = [512, 128], strides = [1, 1]} : vector<512x8192xf32> to vector<512x128xf32>
    %mul3A_318 = arith.constant 2.000000e+00 : f32
    %mul3A_319 = vector.broadcast %mul3A_318 : f32 to vector<512x128xf32>
    %mul3A_320 = arith.mulf %mul3A_319, %slice3A_317 : vector<512x128xf32>
    %sub3A_321 = vector.broadcast %get3A_7 : vector<512x1xf32> to vector<512x128xf32>
    %sub3A_322 = arith.subf %sub3A_321, %mul3A_320 : vector<512x128xf32>
    %slice3A_323 = vector.extract_strided_slice %broadcast_in_dim3A {offsets = [0, 2688], sizes = [1, 128], strides = [1, 1]} : vector<1x8192xf32> to vector<1x128xf32>
    %add3A_324 = vector.broadcast %slice3A_323 : vector<1x128xf32> to vector<512x128xf32>
    %add3A_325 = arith.addf %sub3A_322, %add3A_324 : vector<512x128xf32>
    %lt3A_326 = arith.cmpf olt, %add3A_325, %select_n3A_312 : vector<512x128xf32>
    %select_n3A_327 = arith.select %lt3A_326, %add3A_325, %select_n3A_312 : vector<512x128xi1>, vector<512x128xf32>
    %add3A_328 = arith.constant 6.400000e+02 : f32
    %add3A_329 = vector.broadcast %add3A_328 : f32 to vector<512x128xf32>
    %add3A_330 = arith.addf %convert_element_type3A, %add3A_329 : vector<512x128xf32>
    %select_n3A_331 = arith.select %lt3A_326, %add3A_330, %select_n3A_316 : vector<512x128xi1>, vector<512x128xf32>
    %slice3A_332 = vector.extract_strided_slice %dot_general3A_9 {offsets = [0, 2816], sizes = [512, 128], strides = [1, 1]} : vector<512x8192xf32> to vector<512x128xf32>
    %mul3A_333 = arith.constant 2.000000e+00 : f32
    %mul3A_334 = vector.broadcast %mul3A_333 : f32 to vector<512x128xf32>
    %mul3A_335 = arith.mulf %mul3A_334, %slice3A_332 : vector<512x128xf32>
    %sub3A_336 = vector.broadcast %get3A_7 : vector<512x1xf32> to vector<512x128xf32>
    %sub3A_337 = arith.subf %sub3A_336, %mul3A_335 : vector<512x128xf32>
    %slice3A_338 = vector.extract_strided_slice %broadcast_in_dim3A {offsets = [0, 2816], sizes = [1, 128], strides = [1, 1]} : vector<1x8192xf32> to vector<1x128xf32>
    %add3A_339 = vector.broadcast %slice3A_338 : vector<1x128xf32> to vector<512x128xf32>
    %add3A_340 = arith.addf %sub3A_337, %add3A_339 : vector<512x128xf32>
    %lt3A_341 = arith.cmpf olt, %add3A_340, %select_n3A_327 : vector<512x128xf32>
    %select_n3A_342 = arith.select %lt3A_341, %add3A_340, %select_n3A_327 : vector<512x128xi1>, vector<512x128xf32>
    %add3A_343 = arith.constant 7.680000e+02 : f32
    %add3A_344 = vector.broadcast %add3A_343 : f32 to vector<512x128xf32>
    %add3A_345 = arith.addf %convert_element_type3A, %add3A_344 : vector<512x128xf32>
    %select_n3A_346 = arith.select %lt3A_341, %add3A_345, %select_n3A_331 : vector<512x128xi1>, vector<512x128xf32>
    %slice3A_347 = vector.extract_strided_slice %dot_general3A_9 {offsets = [0, 2944], sizes = [512, 128], strides = [1, 1]} : vector<512x8192xf32> to vector<512x128xf32>
    %mul3A_348 = arith.constant 2.000000e+00 : f32
    %mul3A_349 = vector.broadcast %mul3A_348 : f32 to vector<512x128xf32>
    %mul3A_350 = arith.mulf %mul3A_349, %slice3A_347 : vector<512x128xf32>
    %sub3A_351 = vector.broadcast %get3A_7 : vector<512x1xf32> to vector<512x128xf32>
    %sub3A_352 = arith.subf %sub3A_351, %mul3A_350 : vector<512x128xf32>
    %slice3A_353 = vector.extract_strided_slice %broadcast_in_dim3A {offsets = [0, 2944], sizes = [1, 128], strides = [1, 1]} : vector<1x8192xf32> to vector<1x128xf32>
    %add3A_354 = vector.broadcast %slice3A_353 : vector<1x128xf32> to vector<512x128xf32>
    %add3A_355 = arith.addf %sub3A_352, %add3A_354 : vector<512x128xf32>
    %lt3A_356 = arith.cmpf olt, %add3A_355, %select_n3A_342 : vector<512x128xf32>
    %select_n3A_357 = arith.select %lt3A_356, %add3A_355, %select_n3A_342 : vector<512x128xi1>, vector<512x128xf32>
    %add3A_358 = arith.constant 8.960000e+02 : f32
    %add3A_359 = vector.broadcast %add3A_358 : f32 to vector<512x128xf32>
    %add3A_360 = arith.addf %convert_element_type3A, %add3A_359 : vector<512x128xf32>
    %select_n3A_361 = arith.select %lt3A_356, %add3A_360, %select_n3A_346 : vector<512x128xi1>, vector<512x128xf32>
    %slice3A_362 = vector.extract_strided_slice %dot_general3A_9 {offsets = [0, 3072], sizes = [512, 128], strides = [1, 1]} : vector<512x8192xf32> to vector<512x128xf32>
    %mul3A_363 = arith.constant 2.000000e+00 : f32
    %mul3A_364 = vector.broadcast %mul3A_363 : f32 to vector<512x128xf32>
    %mul3A_365 = arith.mulf %mul3A_364, %slice3A_362 : vector<512x128xf32>
    %sub3A_366 = vector.broadcast %get3A_7 : vector<512x1xf32> to vector<512x128xf32>
    %sub3A_367 = arith.subf %sub3A_366, %mul3A_365 : vector<512x128xf32>
    %slice3A_368 = vector.extract_strided_slice %broadcast_in_dim3A {offsets = [0, 3072], sizes = [1, 128], strides = [1, 1]} : vector<1x8192xf32> to vector<1x128xf32>
    %add3A_369 = vector.broadcast %slice3A_368 : vector<1x128xf32> to vector<512x128xf32>
    %add3A_370 = arith.addf %sub3A_367, %add3A_369 : vector<512x128xf32>
    %lt3A_371 = arith.cmpf olt, %add3A_370, %select_n3A_357 : vector<512x128xf32>
    %select_n3A_372 = arith.select %lt3A_371, %add3A_370, %select_n3A_357 : vector<512x128xi1>, vector<512x128xf32>
    %add3A_373 = arith.constant 1.024000e+03 : f32
    %add3A_374 = vector.broadcast %add3A_373 : f32 to vector<512x128xf32>
    %add3A_375 = arith.addf %convert_element_type3A, %add3A_374 : vector<512x128xf32>
    %select_n3A_376 = arith.select %lt3A_371, %add3A_375, %select_n3A_361 : vector<512x128xi1>, vector<512x128xf32>
    %slice3A_377 = vector.extract_strided_slice %dot_general3A_9 {offsets = [0, 3200], sizes = [512, 128], strides = [1, 1]} : vector<512x8192xf32> to vector<512x128xf32>
    %mul3A_378 = arith.constant 2.000000e+00 : f32
    %mul3A_379 = vector.broadcast %mul3A_378 : f32 to vector<512x128xf32>
    %mul3A_380 = arith.mulf %mul3A_379, %slice3A_377 : vector<512x128xf32>
    %sub3A_381 = vector.broadcast %get3A_7 : vector<512x1xf32> to vector<512x128xf32>
    %sub3A_382 = arith.subf %sub3A_381, %mul3A_380 : vector<512x128xf32>
    %slice3A_383 = vector.extract_strided_slice %broadcast_in_dim3A {offsets = [0, 3200], sizes = [1, 128], strides = [1, 1]} : vector<1x8192xf32> to vector<1x128xf32>
    %add3A_384 = vector.broadcast %slice3A_383 : vector<1x128xf32> to vector<512x128xf32>
    %add3A_385 = arith.addf %sub3A_382, %add3A_384 : vector<512x128xf32>
    %lt3A_386 = arith.cmpf olt, %add3A_385, %select_n3A_372 : vector<512x128xf32>
    %select_n3A_387 = arith.select %lt3A_386, %add3A_385, %select_n3A_372 : vector<512x128xi1>, vector<512x128xf32>
    %add3A_388 = arith.constant 1.152000e+03 : f32
    %add3A_389 = vector.broadcast %add3A_388 : f32 to vector<512x128xf32>
    %add3A_390 = arith.addf %convert_element_type3A, %add3A_389 : vector<512x128xf32>
    %select_n3A_391 = arith.select %lt3A_386, %add3A_390, %select_n3A_376 : vector<512x128xi1>, vector<512x128xf32>
    %slice3A_392 = vector.extract_strided_slice %dot_general3A_9 {offsets = [0, 3328], sizes = [512, 128], strides = [1, 1]} : vector<512x8192xf32> to vector<512x128xf32>
    %mul3A_393 = arith.constant 2.000000e+00 : f32
    %mul3A_394 = vector.broadcast %mul3A_393 : f32 to vector<512x128xf32>
    %mul3A_395 = arith.mulf %mul3A_394, %slice3A_392 : vector<512x128xf32>
    %sub3A_396 = vector.broadcast %get3A_7 : vector<512x1xf32> to vector<512x128xf32>
    %sub3A_397 = arith.subf %sub3A_396, %mul3A_395 : vector<512x128xf32>
    %slice3A_398 = vector.extract_strided_slice %broadcast_in_dim3A {offsets = [0, 3328], sizes = [1, 128], strides = [1, 1]} : vector<1x8192xf32> to vector<1x128xf32>
    %add3A_399 = vector.broadcast %slice3A_398 : vector<1x128xf32> to vector<512x128xf32>
    %add3A_400 = arith.addf %sub3A_397, %add3A_399 : vector<512x128xf32>
    %lt3A_401 = arith.cmpf olt, %add3A_400, %select_n3A_387 : vector<512x128xf32>
    %select_n3A_402 = arith.select %lt3A_401, %add3A_400, %select_n3A_387 : vector<512x128xi1>, vector<512x128xf32>
    %add3A_403 = arith.constant 1.280000e+03 : f32
    %add3A_404 = vector.broadcast %add3A_403 : f32 to vector<512x128xf32>
    %add3A_405 = arith.addf %convert_element_type3A, %add3A_404 : vector<512x128xf32>
    %select_n3A_406 = arith.select %lt3A_401, %add3A_405, %select_n3A_391 : vector<512x128xi1>, vector<512x128xf32>
    %slice3A_407 = vector.extract_strided_slice %dot_general3A_9 {offsets = [0, 3456], sizes = [512, 128], strides = [1, 1]} : vector<512x8192xf32> to vector<512x128xf32>
    %mul3A_408 = arith.constant 2.000000e+00 : f32
    %mul3A_409 = vector.broadcast %mul3A_408 : f32 to vector<512x128xf32>
    %mul3A_410 = arith.mulf %mul3A_409, %slice3A_407 : vector<512x128xf32>
    %sub3A_411 = vector.broadcast %get3A_7 : vector<512x1xf32> to vector<512x128xf32>
    %sub3A_412 = arith.subf %sub3A_411, %mul3A_410 : vector<512x128xf32>
    %slice3A_413 = vector.extract_strided_slice %broadcast_in_dim3A {offsets = [0, 3456], sizes = [1, 128], strides = [1, 1]} : vector<1x8192xf32> to vector<1x128xf32>
    %add3A_414 = vector.broadcast %slice3A_413 : vector<1x128xf32> to vector<512x128xf32>
    %add3A_415 = arith.addf %sub3A_412, %add3A_414 : vector<512x128xf32>
    %lt3A_416 = arith.cmpf olt, %add3A_415, %select_n3A_402 : vector<512x128xf32>
    %select_n3A_417 = arith.select %lt3A_416, %add3A_415, %select_n3A_402 : vector<512x128xi1>, vector<512x128xf32>
    %add3A_418 = arith.constant 1.408000e+03 : f32
    %add3A_419 = vector.broadcast %add3A_418 : f32 to vector<512x128xf32>
    %add3A_420 = arith.addf %convert_element_type3A, %add3A_419 : vector<512x128xf32>
    %select_n3A_421 = arith.select %lt3A_416, %add3A_420, %select_n3A_406 : vector<512x128xi1>, vector<512x128xf32>
    %slice3A_422 = vector.extract_strided_slice %dot_general3A_9 {offsets = [0, 3584], sizes = [512, 128], strides = [1, 1]} : vector<512x8192xf32> to vector<512x128xf32>
    %mul3A_423 = arith.constant 2.000000e+00 : f32
    %mul3A_424 = vector.broadcast %mul3A_423 : f32 to vector<512x128xf32>
    %mul3A_425 = arith.mulf %mul3A_424, %slice3A_422 : vector<512x128xf32>
    %sub3A_426 = vector.broadcast %get3A_7 : vector<512x1xf32> to vector<512x128xf32>
    %sub3A_427 = arith.subf %sub3A_426, %mul3A_425 : vector<512x128xf32>
    %slice3A_428 = vector.extract_strided_slice %broadcast_in_dim3A {offsets = [0, 3584], sizes = [1, 128], strides = [1, 1]} : vector<1x8192xf32> to vector<1x128xf32>
    %add3A_429 = vector.broadcast %slice3A_428 : vector<1x128xf32> to vector<512x128xf32>
    %add3A_430 = arith.addf %sub3A_427, %add3A_429 : vector<512x128xf32>
    %lt3A_431 = arith.cmpf olt, %add3A_430, %select_n3A_417 : vector<512x128xf32>
    %select_n3A_432 = arith.select %lt3A_431, %add3A_430, %select_n3A_417 : vector<512x128xi1>, vector<512x128xf32>
    %add3A_433 = arith.constant 1.536000e+03 : f32
    %add3A_434 = vector.broadcast %add3A_433 : f32 to vector<512x128xf32>
    %add3A_435 = arith.addf %convert_element_type3A, %add3A_434 : vector<512x128xf32>
    %select_n3A_436 = arith.select %lt3A_431, %add3A_435, %select_n3A_421 : vector<512x128xi1>, vector<512x128xf32>
    %slice3A_437 = vector.extract_strided_slice %dot_general3A_9 {offsets = [0, 3712], sizes = [512, 128], strides = [1, 1]} : vector<512x8192xf32> to vector<512x128xf32>
    %mul3A_438 = arith.constant 2.000000e+00 : f32
    %mul3A_439 = vector.broadcast %mul3A_438 : f32 to vector<512x128xf32>
    %mul3A_440 = arith.mulf %mul3A_439, %slice3A_437 : vector<512x128xf32>
    %sub3A_441 = vector.broadcast %get3A_7 : vector<512x1xf32> to vector<512x128xf32>
    %sub3A_442 = arith.subf %sub3A_441, %mul3A_440 : vector<512x128xf32>
    %slice3A_443 = vector.extract_strided_slice %broadcast_in_dim3A {offsets = [0, 3712], sizes = [1, 128], strides = [1, 1]} : vector<1x8192xf32> to vector<1x128xf32>
    %add3A_444 = vector.broadcast %slice3A_443 : vector<1x128xf32> to vector<512x128xf32>
    %add3A_445 = arith.addf %sub3A_442, %add3A_444 : vector<512x128xf32>
    %lt3A_446 = arith.cmpf olt, %add3A_445, %select_n3A_432 : vector<512x128xf32>
    %select_n3A_447 = arith.select %lt3A_446, %add3A_445, %select_n3A_432 : vector<512x128xi1>, vector<512x128xf32>
    %add3A_448 = arith.constant 1.664000e+03 : f32
    %add3A_449 = vector.broadcast %add3A_448 : f32 to vector<512x128xf32>
    %add3A_450 = arith.addf %convert_element_type3A, %add3A_449 : vector<512x128xf32>
    %select_n3A_451 = arith.select %lt3A_446, %add3A_450, %select_n3A_436 : vector<512x128xi1>, vector<512x128xf32>
    %slice3A_452 = vector.extract_strided_slice %dot_general3A_9 {offsets = [0, 3840], sizes = [512, 128], strides = [1, 1]} : vector<512x8192xf32> to vector<512x128xf32>
    %mul3A_453 = arith.constant 2.000000e+00 : f32
    %mul3A_454 = vector.broadcast %mul3A_453 : f32 to vector<512x128xf32>
    %mul3A_455 = arith.mulf %mul3A_454, %slice3A_452 : vector<512x128xf32>
    %sub3A_456 = vector.broadcast %get3A_7 : vector<512x1xf32> to vector<512x128xf32>
    %sub3A_457 = arith.subf %sub3A_456, %mul3A_455 : vector<512x128xf32>
    %slice3A_458 = vector.extract_strided_slice %broadcast_in_dim3A {offsets = [0, 3840], sizes = [1, 128], strides = [1, 1]} : vector<1x8192xf32> to vector<1x128xf32>
    %add3A_459 = vector.broadcast %slice3A_458 : vector<1x128xf32> to vector<512x128xf32>
    %add3A_460 = arith.addf %sub3A_457, %add3A_459 : vector<512x128xf32>
    %lt3A_461 = arith.cmpf olt, %add3A_460, %select_n3A_447 : vector<512x128xf32>
    %select_n3A_462 = arith.select %lt3A_461, %add3A_460, %select_n3A_447 : vector<512x128xi1>, vector<512x128xf32>
    %add3A_463 = arith.constant 1.792000e+03 : f32
    %add3A_464 = vector.broadcast %add3A_463 : f32 to vector<512x128xf32>
    %add3A_465 = arith.addf %convert_element_type3A, %add3A_464 : vector<512x128xf32>
    %select_n3A_466 = arith.select %lt3A_461, %add3A_465, %select_n3A_451 : vector<512x128xi1>, vector<512x128xf32>
    %slice3A_467 = vector.extract_strided_slice %dot_general3A_9 {offsets = [0, 3968], sizes = [512, 128], strides = [1, 1]} : vector<512x8192xf32> to vector<512x128xf32>
    %mul3A_468 = arith.constant 2.000000e+00 : f32
    %mul3A_469 = vector.broadcast %mul3A_468 : f32 to vector<512x128xf32>
    %mul3A_470 = arith.mulf %mul3A_469, %slice3A_467 : vector<512x128xf32>
    %sub3A_471 = vector.broadcast %get3A_7 : vector<512x1xf32> to vector<512x128xf32>
    %sub3A_472 = arith.subf %sub3A_471, %mul3A_470 : vector<512x128xf32>
    %slice3A_473 = vector.extract_strided_slice %broadcast_in_dim3A {offsets = [0, 3968], sizes = [1, 128], strides = [1, 1]} : vector<1x8192xf32> to vector<1x128xf32>
    %add3A_474 = vector.broadcast %slice3A_473 : vector<1x128xf32> to vector<512x128xf32>
    %add3A_475 = arith.addf %sub3A_472, %add3A_474 : vector<512x128xf32>
    %lt3A_476 = arith.cmpf olt, %add3A_475, %select_n3A_462 : vector<512x128xf32>
    %select_n3A_477 = arith.select %lt3A_476, %add3A_475, %select_n3A_462 : vector<512x128xi1>, vector<512x128xf32>
    %add3A_478 = arith.constant 1.920000e+03 : f32
    %add3A_479 = vector.broadcast %add3A_478 : f32 to vector<512x128xf32>
    %add3A_480 = arith.addf %convert_element_type3A, %add3A_479 : vector<512x128xf32>
    %select_n3A_481 = arith.select %lt3A_476, %add3A_480, %select_n3A_466 : vector<512x128xi1>, vector<512x128xf32>
    %reduce_min3A_482 = arith.constant dense<0x7F800000> : vector<512xf32>
    %reduce_min3A_483 = vector.multi_reduction <minimumf>, %select_n3A_477, %reduce_min3A_482 [1] : vector<512x128xf32> to vector<512xf32>
    %broadcast_in_dim3A_484 = vector.shape_cast %reduce_min3A_483 : vector<512xf32> to vector<512x1xf32>
    %eq3A_485 = vector.broadcast %broadcast_in_dim3A_484 : vector<512x1xf32> to vector<512x128xf32>
    %eq3A_486 = arith.cmpf oeq, %select_n3A_477, %eq3A_485 : vector<512x128xf32>
    %jit3A_487 = arith.constant 2.048000e+03 : f32
    %broadcast_in_dim3A_488 = vector.broadcast %jit3A_487 : f32 to vector<512x128xf32>
    %select_n3A_489 = arith.select %eq3A_486, %select_n3A_481, %broadcast_in_dim3A_488 : vector<512x128xi1>, vector<512x128xf32>
    %reduce_min3A_490 = arith.constant dense<0x7F800000> : vector<512xf32>
    %reduce_min3A_491 = vector.multi_reduction <minimumf>, %select_n3A_489, %reduce_min3A_490 [1] : vector<512x128xf32> to vector<512xf32>
    %squeeze3A_492 = vector.shape_cast %broadcast_in_dim3A_484 : vector<512x1xf32> to vector<512xf32>
    %add3A_493 = arith.constant 2.048000e+03 : f32
    %add3A_494 = vector.broadcast %add3A_493 : f32 to vector<512xf32>
    %add3A_495 = arith.addf %reduce_min3A_491, %add3A_494 : vector<512xf32>
    %slice3A_496 = vector.extract_strided_slice %dot_general3A_9 {offsets = [0, 4096], sizes = [512, 128], strides = [1, 1]} : vector<512x8192xf32> to vector<512x128xf32>
    %mul3A_497 = arith.constant 2.000000e+00 : f32
    %mul3A_498 = vector.broadcast %mul3A_497 : f32 to vector<512x128xf32>
    %mul3A_499 = arith.mulf %mul3A_498, %slice3A_496 : vector<512x128xf32>
    %sub3A_500 = vector.broadcast %get3A_7 : vector<512x1xf32> to vector<512x128xf32>
    %sub3A_501 = arith.subf %sub3A_500, %mul3A_499 : vector<512x128xf32>
    %slice3A_502 = vector.extract_strided_slice %broadcast_in_dim3A {offsets = [0, 4096], sizes = [1, 128], strides = [1, 1]} : vector<1x8192xf32> to vector<1x128xf32>
    %add3A_503 = vector.broadcast %slice3A_502 : vector<1x128xf32> to vector<512x128xf32>
    %add3A_504 = arith.addf %sub3A_501, %add3A_503 : vector<512x128xf32>
    %slice3A_505 = vector.extract_strided_slice %dot_general3A_9 {offsets = [0, 4224], sizes = [512, 128], strides = [1, 1]} : vector<512x8192xf32> to vector<512x128xf32>
    %mul3A_506 = arith.constant 2.000000e+00 : f32
    %mul3A_507 = vector.broadcast %mul3A_506 : f32 to vector<512x128xf32>
    %mul3A_508 = arith.mulf %mul3A_507, %slice3A_505 : vector<512x128xf32>
    %sub3A_509 = vector.broadcast %get3A_7 : vector<512x1xf32> to vector<512x128xf32>
    %sub3A_510 = arith.subf %sub3A_509, %mul3A_508 : vector<512x128xf32>
    %slice3A_511 = vector.extract_strided_slice %broadcast_in_dim3A {offsets = [0, 4224], sizes = [1, 128], strides = [1, 1]} : vector<1x8192xf32> to vector<1x128xf32>
    %add3A_512 = vector.broadcast %slice3A_511 : vector<1x128xf32> to vector<512x128xf32>
    %add3A_513 = arith.addf %sub3A_510, %add3A_512 : vector<512x128xf32>
    %lt3A_514 = arith.cmpf olt, %add3A_513, %add3A_504 : vector<512x128xf32>
    %select_n3A_515 = arith.select %lt3A_514, %add3A_513, %add3A_504 : vector<512x128xi1>, vector<512x128xf32>
    %add3A_516 = arith.constant 1.280000e+02 : f32
    %add3A_517 = vector.broadcast %add3A_516 : f32 to vector<512x128xf32>
    %add3A_518 = arith.addf %convert_element_type3A, %add3A_517 : vector<512x128xf32>
    %select_n3A_519 = arith.select %lt3A_514, %add3A_518, %convert_element_type3A : vector<512x128xi1>, vector<512x128xf32>
    %slice3A_520 = vector.extract_strided_slice %dot_general3A_9 {offsets = [0, 4352], sizes = [512, 128], strides = [1, 1]} : vector<512x8192xf32> to vector<512x128xf32>
    %mul3A_521 = arith.constant 2.000000e+00 : f32
    %mul3A_522 = vector.broadcast %mul3A_521 : f32 to vector<512x128xf32>
    %mul3A_523 = arith.mulf %mul3A_522, %slice3A_520 : vector<512x128xf32>
    %sub3A_524 = vector.broadcast %get3A_7 : vector<512x1xf32> to vector<512x128xf32>
    %sub3A_525 = arith.subf %sub3A_524, %mul3A_523 : vector<512x128xf32>
    %slice3A_526 = vector.extract_strided_slice %broadcast_in_dim3A {offsets = [0, 4352], sizes = [1, 128], strides = [1, 1]} : vector<1x8192xf32> to vector<1x128xf32>
    %add3A_527 = vector.broadcast %slice3A_526 : vector<1x128xf32> to vector<512x128xf32>
    %add3A_528 = arith.addf %sub3A_525, %add3A_527 : vector<512x128xf32>
    %lt3A_529 = arith.cmpf olt, %add3A_528, %select_n3A_515 : vector<512x128xf32>
    %select_n3A_530 = arith.select %lt3A_529, %add3A_528, %select_n3A_515 : vector<512x128xi1>, vector<512x128xf32>
    %add3A_531 = arith.constant 2.560000e+02 : f32
    %add3A_532 = vector.broadcast %add3A_531 : f32 to vector<512x128xf32>
    %add3A_533 = arith.addf %convert_element_type3A, %add3A_532 : vector<512x128xf32>
    %select_n3A_534 = arith.select %lt3A_529, %add3A_533, %select_n3A_519 : vector<512x128xi1>, vector<512x128xf32>
    %slice3A_535 = vector.extract_strided_slice %dot_general3A_9 {offsets = [0, 4480], sizes = [512, 128], strides = [1, 1]} : vector<512x8192xf32> to vector<512x128xf32>
    %mul3A_536 = arith.constant 2.000000e+00 : f32
    %mul3A_537 = vector.broadcast %mul3A_536 : f32 to vector<512x128xf32>
    %mul3A_538 = arith.mulf %mul3A_537, %slice3A_535 : vector<512x128xf32>
    %sub3A_539 = vector.broadcast %get3A_7 : vector<512x1xf32> to vector<512x128xf32>
    %sub3A_540 = arith.subf %sub3A_539, %mul3A_538 : vector<512x128xf32>
    %slice3A_541 = vector.extract_strided_slice %broadcast_in_dim3A {offsets = [0, 4480], sizes = [1, 128], strides = [1, 1]} : vector<1x8192xf32> to vector<1x128xf32>
    %add3A_542 = vector.broadcast %slice3A_541 : vector<1x128xf32> to vector<512x128xf32>
    %add3A_543 = arith.addf %sub3A_540, %add3A_542 : vector<512x128xf32>
    %lt3A_544 = arith.cmpf olt, %add3A_543, %select_n3A_530 : vector<512x128xf32>
    %select_n3A_545 = arith.select %lt3A_544, %add3A_543, %select_n3A_530 : vector<512x128xi1>, vector<512x128xf32>
    %add3A_546 = arith.constant 3.840000e+02 : f32
    %add3A_547 = vector.broadcast %add3A_546 : f32 to vector<512x128xf32>
    %add3A_548 = arith.addf %convert_element_type3A, %add3A_547 : vector<512x128xf32>
    %select_n3A_549 = arith.select %lt3A_544, %add3A_548, %select_n3A_534 : vector<512x128xi1>, vector<512x128xf32>
    %slice3A_550 = vector.extract_strided_slice %dot_general3A_9 {offsets = [0, 4608], sizes = [512, 128], strides = [1, 1]} : vector<512x8192xf32> to vector<512x128xf32>
    %mul3A_551 = arith.constant 2.000000e+00 : f32
    %mul3A_552 = vector.broadcast %mul3A_551 : f32 to vector<512x128xf32>
    %mul3A_553 = arith.mulf %mul3A_552, %slice3A_550 : vector<512x128xf32>
    %sub3A_554 = vector.broadcast %get3A_7 : vector<512x1xf32> to vector<512x128xf32>
    %sub3A_555 = arith.subf %sub3A_554, %mul3A_553 : vector<512x128xf32>
    %slice3A_556 = vector.extract_strided_slice %broadcast_in_dim3A {offsets = [0, 4608], sizes = [1, 128], strides = [1, 1]} : vector<1x8192xf32> to vector<1x128xf32>
    %add3A_557 = vector.broadcast %slice3A_556 : vector<1x128xf32> to vector<512x128xf32>
    %add3A_558 = arith.addf %sub3A_555, %add3A_557 : vector<512x128xf32>
    %lt3A_559 = arith.cmpf olt, %add3A_558, %select_n3A_545 : vector<512x128xf32>
    %select_n3A_560 = arith.select %lt3A_559, %add3A_558, %select_n3A_545 : vector<512x128xi1>, vector<512x128xf32>
    %add3A_561 = arith.constant 5.120000e+02 : f32
    %add3A_562 = vector.broadcast %add3A_561 : f32 to vector<512x128xf32>
    %add3A_563 = arith.addf %convert_element_type3A, %add3A_562 : vector<512x128xf32>
    %select_n3A_564 = arith.select %lt3A_559, %add3A_563, %select_n3A_549 : vector<512x128xi1>, vector<512x128xf32>
    %slice3A_565 = vector.extract_strided_slice %dot_general3A_9 {offsets = [0, 4736], sizes = [512, 128], strides = [1, 1]} : vector<512x8192xf32> to vector<512x128xf32>
    %mul3A_566 = arith.constant 2.000000e+00 : f32
    %mul3A_567 = vector.broadcast %mul3A_566 : f32 to vector<512x128xf32>
    %mul3A_568 = arith.mulf %mul3A_567, %slice3A_565 : vector<512x128xf32>
    %sub3A_569 = vector.broadcast %get3A_7 : vector<512x1xf32> to vector<512x128xf32>
    %sub3A_570 = arith.subf %sub3A_569, %mul3A_568 : vector<512x128xf32>
    %slice3A_571 = vector.extract_strided_slice %broadcast_in_dim3A {offsets = [0, 4736], sizes = [1, 128], strides = [1, 1]} : vector<1x8192xf32> to vector<1x128xf32>
    %add3A_572 = vector.broadcast %slice3A_571 : vector<1x128xf32> to vector<512x128xf32>
    %add3A_573 = arith.addf %sub3A_570, %add3A_572 : vector<512x128xf32>
    %lt3A_574 = arith.cmpf olt, %add3A_573, %select_n3A_560 : vector<512x128xf32>
    %select_n3A_575 = arith.select %lt3A_574, %add3A_573, %select_n3A_560 : vector<512x128xi1>, vector<512x128xf32>
    %add3A_576 = arith.constant 6.400000e+02 : f32
    %add3A_577 = vector.broadcast %add3A_576 : f32 to vector<512x128xf32>
    %add3A_578 = arith.addf %convert_element_type3A, %add3A_577 : vector<512x128xf32>
    %select_n3A_579 = arith.select %lt3A_574, %add3A_578, %select_n3A_564 : vector<512x128xi1>, vector<512x128xf32>
    %slice3A_580 = vector.extract_strided_slice %dot_general3A_9 {offsets = [0, 4864], sizes = [512, 128], strides = [1, 1]} : vector<512x8192xf32> to vector<512x128xf32>
    %mul3A_581 = arith.constant 2.000000e+00 : f32
    %mul3A_582 = vector.broadcast %mul3A_581 : f32 to vector<512x128xf32>
    %mul3A_583 = arith.mulf %mul3A_582, %slice3A_580 : vector<512x128xf32>
    %sub3A_584 = vector.broadcast %get3A_7 : vector<512x1xf32> to vector<512x128xf32>
    %sub3A_585 = arith.subf %sub3A_584, %mul3A_583 : vector<512x128xf32>
    %slice3A_586 = vector.extract_strided_slice %broadcast_in_dim3A {offsets = [0, 4864], sizes = [1, 128], strides = [1, 1]} : vector<1x8192xf32> to vector<1x128xf32>
    %add3A_587 = vector.broadcast %slice3A_586 : vector<1x128xf32> to vector<512x128xf32>
    %add3A_588 = arith.addf %sub3A_585, %add3A_587 : vector<512x128xf32>
    %lt3A_589 = arith.cmpf olt, %add3A_588, %select_n3A_575 : vector<512x128xf32>
    %select_n3A_590 = arith.select %lt3A_589, %add3A_588, %select_n3A_575 : vector<512x128xi1>, vector<512x128xf32>
    %add3A_591 = arith.constant 7.680000e+02 : f32
    %add3A_592 = vector.broadcast %add3A_591 : f32 to vector<512x128xf32>
    %add3A_593 = arith.addf %convert_element_type3A, %add3A_592 : vector<512x128xf32>
    %select_n3A_594 = arith.select %lt3A_589, %add3A_593, %select_n3A_579 : vector<512x128xi1>, vector<512x128xf32>
    %slice3A_595 = vector.extract_strided_slice %dot_general3A_9 {offsets = [0, 4992], sizes = [512, 128], strides = [1, 1]} : vector<512x8192xf32> to vector<512x128xf32>
    %mul3A_596 = arith.constant 2.000000e+00 : f32
    %mul3A_597 = vector.broadcast %mul3A_596 : f32 to vector<512x128xf32>
    %mul3A_598 = arith.mulf %mul3A_597, %slice3A_595 : vector<512x128xf32>
    %sub3A_599 = vector.broadcast %get3A_7 : vector<512x1xf32> to vector<512x128xf32>
    %sub3A_600 = arith.subf %sub3A_599, %mul3A_598 : vector<512x128xf32>
    %slice3A_601 = vector.extract_strided_slice %broadcast_in_dim3A {offsets = [0, 4992], sizes = [1, 128], strides = [1, 1]} : vector<1x8192xf32> to vector<1x128xf32>
    %add3A_602 = vector.broadcast %slice3A_601 : vector<1x128xf32> to vector<512x128xf32>
    %add3A_603 = arith.addf %sub3A_600, %add3A_602 : vector<512x128xf32>
    %lt3A_604 = arith.cmpf olt, %add3A_603, %select_n3A_590 : vector<512x128xf32>
    %select_n3A_605 = arith.select %lt3A_604, %add3A_603, %select_n3A_590 : vector<512x128xi1>, vector<512x128xf32>
    %add3A_606 = arith.constant 8.960000e+02 : f32
    %add3A_607 = vector.broadcast %add3A_606 : f32 to vector<512x128xf32>
    %add3A_608 = arith.addf %convert_element_type3A, %add3A_607 : vector<512x128xf32>
    %select_n3A_609 = arith.select %lt3A_604, %add3A_608, %select_n3A_594 : vector<512x128xi1>, vector<512x128xf32>
    %slice3A_610 = vector.extract_strided_slice %dot_general3A_9 {offsets = [0, 5120], sizes = [512, 128], strides = [1, 1]} : vector<512x8192xf32> to vector<512x128xf32>
    %mul3A_611 = arith.constant 2.000000e+00 : f32
    %mul3A_612 = vector.broadcast %mul3A_611 : f32 to vector<512x128xf32>
    %mul3A_613 = arith.mulf %mul3A_612, %slice3A_610 : vector<512x128xf32>
    %sub3A_614 = vector.broadcast %get3A_7 : vector<512x1xf32> to vector<512x128xf32>
    %sub3A_615 = arith.subf %sub3A_614, %mul3A_613 : vector<512x128xf32>
    %slice3A_616 = vector.extract_strided_slice %broadcast_in_dim3A {offsets = [0, 5120], sizes = [1, 128], strides = [1, 1]} : vector<1x8192xf32> to vector<1x128xf32>
    %add3A_617 = vector.broadcast %slice3A_616 : vector<1x128xf32> to vector<512x128xf32>
    %add3A_618 = arith.addf %sub3A_615, %add3A_617 : vector<512x128xf32>
    %lt3A_619 = arith.cmpf olt, %add3A_618, %select_n3A_605 : vector<512x128xf32>
    %select_n3A_620 = arith.select %lt3A_619, %add3A_618, %select_n3A_605 : vector<512x128xi1>, vector<512x128xf32>
    %add3A_621 = arith.constant 1.024000e+03 : f32
    %add3A_622 = vector.broadcast %add3A_621 : f32 to vector<512x128xf32>
    %add3A_623 = arith.addf %convert_element_type3A, %add3A_622 : vector<512x128xf32>
    %select_n3A_624 = arith.select %lt3A_619, %add3A_623, %select_n3A_609 : vector<512x128xi1>, vector<512x128xf32>
    %slice3A_625 = vector.extract_strided_slice %dot_general3A_9 {offsets = [0, 5248], sizes = [512, 128], strides = [1, 1]} : vector<512x8192xf32> to vector<512x128xf32>
    %mul3A_626 = arith.constant 2.000000e+00 : f32
    %mul3A_627 = vector.broadcast %mul3A_626 : f32 to vector<512x128xf32>
    %mul3A_628 = arith.mulf %mul3A_627, %slice3A_625 : vector<512x128xf32>
    %sub3A_629 = vector.broadcast %get3A_7 : vector<512x1xf32> to vector<512x128xf32>
    %sub3A_630 = arith.subf %sub3A_629, %mul3A_628 : vector<512x128xf32>
    %slice3A_631 = vector.extract_strided_slice %broadcast_in_dim3A {offsets = [0, 5248], sizes = [1, 128], strides = [1, 1]} : vector<1x8192xf32> to vector<1x128xf32>
    %add3A_632 = vector.broadcast %slice3A_631 : vector<1x128xf32> to vector<512x128xf32>
    %add3A_633 = arith.addf %sub3A_630, %add3A_632 : vector<512x128xf32>
    %lt3A_634 = arith.cmpf olt, %add3A_633, %select_n3A_620 : vector<512x128xf32>
    %select_n3A_635 = arith.select %lt3A_634, %add3A_633, %select_n3A_620 : vector<512x128xi1>, vector<512x128xf32>
    %add3A_636 = arith.constant 1.152000e+03 : f32
    %add3A_637 = vector.broadcast %add3A_636 : f32 to vector<512x128xf32>
    %add3A_638 = arith.addf %convert_element_type3A, %add3A_637 : vector<512x128xf32>
    %select_n3A_639 = arith.select %lt3A_634, %add3A_638, %select_n3A_624 : vector<512x128xi1>, vector<512x128xf32>
    %slice3A_640 = vector.extract_strided_slice %dot_general3A_9 {offsets = [0, 5376], sizes = [512, 128], strides = [1, 1]} : vector<512x8192xf32> to vector<512x128xf32>
    %mul3A_641 = arith.constant 2.000000e+00 : f32
    %mul3A_642 = vector.broadcast %mul3A_641 : f32 to vector<512x128xf32>
    %mul3A_643 = arith.mulf %mul3A_642, %slice3A_640 : vector<512x128xf32>
    %sub3A_644 = vector.broadcast %get3A_7 : vector<512x1xf32> to vector<512x128xf32>
    %sub3A_645 = arith.subf %sub3A_644, %mul3A_643 : vector<512x128xf32>
    %slice3A_646 = vector.extract_strided_slice %broadcast_in_dim3A {offsets = [0, 5376], sizes = [1, 128], strides = [1, 1]} : vector<1x8192xf32> to vector<1x128xf32>
    %add3A_647 = vector.broadcast %slice3A_646 : vector<1x128xf32> to vector<512x128xf32>
    %add3A_648 = arith.addf %sub3A_645, %add3A_647 : vector<512x128xf32>
    %lt3A_649 = arith.cmpf olt, %add3A_648, %select_n3A_635 : vector<512x128xf32>
    %select_n3A_650 = arith.select %lt3A_649, %add3A_648, %select_n3A_635 : vector<512x128xi1>, vector<512x128xf32>
    %add3A_651 = arith.constant 1.280000e+03 : f32
    %add3A_652 = vector.broadcast %add3A_651 : f32 to vector<512x128xf32>
    %add3A_653 = arith.addf %convert_element_type3A, %add3A_652 : vector<512x128xf32>
    %select_n3A_654 = arith.select %lt3A_649, %add3A_653, %select_n3A_639 : vector<512x128xi1>, vector<512x128xf32>
    %slice3A_655 = vector.extract_strided_slice %dot_general3A_9 {offsets = [0, 5504], sizes = [512, 128], strides = [1, 1]} : vector<512x8192xf32> to vector<512x128xf32>
    %mul3A_656 = arith.constant 2.000000e+00 : f32
    %mul3A_657 = vector.broadcast %mul3A_656 : f32 to vector<512x128xf32>
    %mul3A_658 = arith.mulf %mul3A_657, %slice3A_655 : vector<512x128xf32>
    %sub3A_659 = vector.broadcast %get3A_7 : vector<512x1xf32> to vector<512x128xf32>
    %sub3A_660 = arith.subf %sub3A_659, %mul3A_658 : vector<512x128xf32>
    %slice3A_661 = vector.extract_strided_slice %broadcast_in_dim3A {offsets = [0, 5504], sizes = [1, 128], strides = [1, 1]} : vector<1x8192xf32> to vector<1x128xf32>
    %add3A_662 = vector.broadcast %slice3A_661 : vector<1x128xf32> to vector<512x128xf32>
    %add3A_663 = arith.addf %sub3A_660, %add3A_662 : vector<512x128xf32>
    %lt3A_664 = arith.cmpf olt, %add3A_663, %select_n3A_650 : vector<512x128xf32>
    %select_n3A_665 = arith.select %lt3A_664, %add3A_663, %select_n3A_650 : vector<512x128xi1>, vector<512x128xf32>
    %add3A_666 = arith.constant 1.408000e+03 : f32
    %add3A_667 = vector.broadcast %add3A_666 : f32 to vector<512x128xf32>
    %add3A_668 = arith.addf %convert_element_type3A, %add3A_667 : vector<512x128xf32>
    %select_n3A_669 = arith.select %lt3A_664, %add3A_668, %select_n3A_654 : vector<512x128xi1>, vector<512x128xf32>
    %slice3A_670 = vector.extract_strided_slice %dot_general3A_9 {offsets = [0, 5632], sizes = [512, 128], strides = [1, 1]} : vector<512x8192xf32> to vector<512x128xf32>
    %mul3A_671 = arith.constant 2.000000e+00 : f32
    %mul3A_672 = vector.broadcast %mul3A_671 : f32 to vector<512x128xf32>
    %mul3A_673 = arith.mulf %mul3A_672, %slice3A_670 : vector<512x128xf32>
    %sub3A_674 = vector.broadcast %get3A_7 : vector<512x1xf32> to vector<512x128xf32>
    %sub3A_675 = arith.subf %sub3A_674, %mul3A_673 : vector<512x128xf32>
    %slice3A_676 = vector.extract_strided_slice %broadcast_in_dim3A {offsets = [0, 5632], sizes = [1, 128], strides = [1, 1]} : vector<1x8192xf32> to vector<1x128xf32>
    %add3A_677 = vector.broadcast %slice3A_676 : vector<1x128xf32> to vector<512x128xf32>
    %add3A_678 = arith.addf %sub3A_675, %add3A_677 : vector<512x128xf32>
    %lt3A_679 = arith.cmpf olt, %add3A_678, %select_n3A_665 : vector<512x128xf32>
    %select_n3A_680 = arith.select %lt3A_679, %add3A_678, %select_n3A_665 : vector<512x128xi1>, vector<512x128xf32>
    %add3A_681 = arith.constant 1.536000e+03 : f32
    %add3A_682 = vector.broadcast %add3A_681 : f32 to vector<512x128xf32>
    %add3A_683 = arith.addf %convert_element_type3A, %add3A_682 : vector<512x128xf32>
    %select_n3A_684 = arith.select %lt3A_679, %add3A_683, %select_n3A_669 : vector<512x128xi1>, vector<512x128xf32>
    %slice3A_685 = vector.extract_strided_slice %dot_general3A_9 {offsets = [0, 5760], sizes = [512, 128], strides = [1, 1]} : vector<512x8192xf32> to vector<512x128xf32>
    %mul3A_686 = arith.constant 2.000000e+00 : f32
    %mul3A_687 = vector.broadcast %mul3A_686 : f32 to vector<512x128xf32>
    %mul3A_688 = arith.mulf %mul3A_687, %slice3A_685 : vector<512x128xf32>
    %sub3A_689 = vector.broadcast %get3A_7 : vector<512x1xf32> to vector<512x128xf32>
    %sub3A_690 = arith.subf %sub3A_689, %mul3A_688 : vector<512x128xf32>
    %slice3A_691 = vector.extract_strided_slice %broadcast_in_dim3A {offsets = [0, 5760], sizes = [1, 128], strides = [1, 1]} : vector<1x8192xf32> to vector<1x128xf32>
    %add3A_692 = vector.broadcast %slice3A_691 : vector<1x128xf32> to vector<512x128xf32>
    %add3A_693 = arith.addf %sub3A_690, %add3A_692 : vector<512x128xf32>
    %lt3A_694 = arith.cmpf olt, %add3A_693, %select_n3A_680 : vector<512x128xf32>
    %select_n3A_695 = arith.select %lt3A_694, %add3A_693, %select_n3A_680 : vector<512x128xi1>, vector<512x128xf32>
    %add3A_696 = arith.constant 1.664000e+03 : f32
    %add3A_697 = vector.broadcast %add3A_696 : f32 to vector<512x128xf32>
    %add3A_698 = arith.addf %convert_element_type3A, %add3A_697 : vector<512x128xf32>
    %select_n3A_699 = arith.select %lt3A_694, %add3A_698, %select_n3A_684 : vector<512x128xi1>, vector<512x128xf32>
    %slice3A_700 = vector.extract_strided_slice %dot_general3A_9 {offsets = [0, 5888], sizes = [512, 128], strides = [1, 1]} : vector<512x8192xf32> to vector<512x128xf32>
    %mul3A_701 = arith.constant 2.000000e+00 : f32
    %mul3A_702 = vector.broadcast %mul3A_701 : f32 to vector<512x128xf32>
    %mul3A_703 = arith.mulf %mul3A_702, %slice3A_700 : vector<512x128xf32>
    %sub3A_704 = vector.broadcast %get3A_7 : vector<512x1xf32> to vector<512x128xf32>
    %sub3A_705 = arith.subf %sub3A_704, %mul3A_703 : vector<512x128xf32>
    %slice3A_706 = vector.extract_strided_slice %broadcast_in_dim3A {offsets = [0, 5888], sizes = [1, 128], strides = [1, 1]} : vector<1x8192xf32> to vector<1x128xf32>
    %add3A_707 = vector.broadcast %slice3A_706 : vector<1x128xf32> to vector<512x128xf32>
    %add3A_708 = arith.addf %sub3A_705, %add3A_707 : vector<512x128xf32>
    %lt3A_709 = arith.cmpf olt, %add3A_708, %select_n3A_695 : vector<512x128xf32>
    %select_n3A_710 = arith.select %lt3A_709, %add3A_708, %select_n3A_695 : vector<512x128xi1>, vector<512x128xf32>
    %add3A_711 = arith.constant 1.792000e+03 : f32
    %add3A_712 = vector.broadcast %add3A_711 : f32 to vector<512x128xf32>
    %add3A_713 = arith.addf %convert_element_type3A, %add3A_712 : vector<512x128xf32>
    %select_n3A_714 = arith.select %lt3A_709, %add3A_713, %select_n3A_699 : vector<512x128xi1>, vector<512x128xf32>
    %slice3A_715 = vector.extract_strided_slice %dot_general3A_9 {offsets = [0, 6016], sizes = [512, 128], strides = [1, 1]} : vector<512x8192xf32> to vector<512x128xf32>
    %mul3A_716 = arith.constant 2.000000e+00 : f32
    %mul3A_717 = vector.broadcast %mul3A_716 : f32 to vector<512x128xf32>
    %mul3A_718 = arith.mulf %mul3A_717, %slice3A_715 : vector<512x128xf32>
    %sub3A_719 = vector.broadcast %get3A_7 : vector<512x1xf32> to vector<512x128xf32>
    %sub3A_720 = arith.subf %sub3A_719, %mul3A_718 : vector<512x128xf32>
    %slice3A_721 = vector.extract_strided_slice %broadcast_in_dim3A {offsets = [0, 6016], sizes = [1, 128], strides = [1, 1]} : vector<1x8192xf32> to vector<1x128xf32>
    %add3A_722 = vector.broadcast %slice3A_721 : vector<1x128xf32> to vector<512x128xf32>
    %add3A_723 = arith.addf %sub3A_720, %add3A_722 : vector<512x128xf32>
    %lt3A_724 = arith.cmpf olt, %add3A_723, %select_n3A_710 : vector<512x128xf32>
    %select_n3A_725 = arith.select %lt3A_724, %add3A_723, %select_n3A_710 : vector<512x128xi1>, vector<512x128xf32>
    %add3A_726 = arith.constant 1.920000e+03 : f32
    %add3A_727 = vector.broadcast %add3A_726 : f32 to vector<512x128xf32>
    %add3A_728 = arith.addf %convert_element_type3A, %add3A_727 : vector<512x128xf32>
    %select_n3A_729 = arith.select %lt3A_724, %add3A_728, %select_n3A_714 : vector<512x128xi1>, vector<512x128xf32>
    %reduce_min3A_730 = arith.constant dense<0x7F800000> : vector<512xf32>
    %reduce_min3A_731 = vector.multi_reduction <minimumf>, %select_n3A_725, %reduce_min3A_730 [1] : vector<512x128xf32> to vector<512xf32>
    %broadcast_in_dim3A_732 = vector.shape_cast %reduce_min3A_731 : vector<512xf32> to vector<512x1xf32>
    %eq3A_733 = vector.broadcast %broadcast_in_dim3A_732 : vector<512x1xf32> to vector<512x128xf32>
    %eq3A_734 = arith.cmpf oeq, %select_n3A_725, %eq3A_733 : vector<512x128xf32>
    %jit3A_735 = arith.constant 2.048000e+03 : f32
    %broadcast_in_dim3A_736 = vector.broadcast %jit3A_735 : f32 to vector<512x128xf32>
    %select_n3A_737 = arith.select %eq3A_734, %select_n3A_729, %broadcast_in_dim3A_736 : vector<512x128xi1>, vector<512x128xf32>
    %reduce_min3A_738 = arith.constant dense<0x7F800000> : vector<512xf32>
    %reduce_min3A_739 = vector.multi_reduction <minimumf>, %select_n3A_737, %reduce_min3A_738 [1] : vector<512x128xf32> to vector<512xf32>
    %squeeze3A_740 = vector.shape_cast %broadcast_in_dim3A_732 : vector<512x1xf32> to vector<512xf32>
    %add3A_741 = arith.constant 4.096000e+03 : f32
    %add3A_742 = vector.broadcast %add3A_741 : f32 to vector<512xf32>
    %add3A_743 = arith.addf %reduce_min3A_739, %add3A_742 : vector<512xf32>
    %slice3A_744 = vector.extract_strided_slice %dot_general3A_9 {offsets = [0, 6144], sizes = [512, 128], strides = [1, 1]} : vector<512x8192xf32> to vector<512x128xf32>
    %mul3A_745 = arith.constant 2.000000e+00 : f32
    %mul3A_746 = vector.broadcast %mul3A_745 : f32 to vector<512x128xf32>
    %mul3A_747 = arith.mulf %mul3A_746, %slice3A_744 : vector<512x128xf32>
    %sub3A_748 = vector.broadcast %get3A_7 : vector<512x1xf32> to vector<512x128xf32>
    %sub3A_749 = arith.subf %sub3A_748, %mul3A_747 : vector<512x128xf32>
    %slice3A_750 = vector.extract_strided_slice %broadcast_in_dim3A {offsets = [0, 6144], sizes = [1, 128], strides = [1, 1]} : vector<1x8192xf32> to vector<1x128xf32>
    %add3A_751 = vector.broadcast %slice3A_750 : vector<1x128xf32> to vector<512x128xf32>
    %add3A_752 = arith.addf %sub3A_749, %add3A_751 : vector<512x128xf32>
    %slice3A_753 = vector.extract_strided_slice %dot_general3A_9 {offsets = [0, 6272], sizes = [512, 128], strides = [1, 1]} : vector<512x8192xf32> to vector<512x128xf32>
    %mul3A_754 = arith.constant 2.000000e+00 : f32
    %mul3A_755 = vector.broadcast %mul3A_754 : f32 to vector<512x128xf32>
    %mul3A_756 = arith.mulf %mul3A_755, %slice3A_753 : vector<512x128xf32>
    %sub3A_757 = vector.broadcast %get3A_7 : vector<512x1xf32> to vector<512x128xf32>
    %sub3A_758 = arith.subf %sub3A_757, %mul3A_756 : vector<512x128xf32>
    %slice3A_759 = vector.extract_strided_slice %broadcast_in_dim3A {offsets = [0, 6272], sizes = [1, 128], strides = [1, 1]} : vector<1x8192xf32> to vector<1x128xf32>
    %add3A_760 = vector.broadcast %slice3A_759 : vector<1x128xf32> to vector<512x128xf32>
    %add3A_761 = arith.addf %sub3A_758, %add3A_760 : vector<512x128xf32>
    %lt3A_762 = arith.cmpf olt, %add3A_761, %add3A_752 : vector<512x128xf32>
    %select_n3A_763 = arith.select %lt3A_762, %add3A_761, %add3A_752 : vector<512x128xi1>, vector<512x128xf32>
    %add3A_764 = arith.constant 1.280000e+02 : f32
    %add3A_765 = vector.broadcast %add3A_764 : f32 to vector<512x128xf32>
    %add3A_766 = arith.addf %convert_element_type3A, %add3A_765 : vector<512x128xf32>
    %select_n3A_767 = arith.select %lt3A_762, %add3A_766, %convert_element_type3A : vector<512x128xi1>, vector<512x128xf32>
    %slice3A_768 = vector.extract_strided_slice %dot_general3A_9 {offsets = [0, 6400], sizes = [512, 128], strides = [1, 1]} : vector<512x8192xf32> to vector<512x128xf32>
    %mul3A_769 = arith.constant 2.000000e+00 : f32
    %mul3A_770 = vector.broadcast %mul3A_769 : f32 to vector<512x128xf32>
    %mul3A_771 = arith.mulf %mul3A_770, %slice3A_768 : vector<512x128xf32>
    %sub3A_772 = vector.broadcast %get3A_7 : vector<512x1xf32> to vector<512x128xf32>
    %sub3A_773 = arith.subf %sub3A_772, %mul3A_771 : vector<512x128xf32>
    %slice3A_774 = vector.extract_strided_slice %broadcast_in_dim3A {offsets = [0, 6400], sizes = [1, 128], strides = [1, 1]} : vector<1x8192xf32> to vector<1x128xf32>
    %add3A_775 = vector.broadcast %slice3A_774 : vector<1x128xf32> to vector<512x128xf32>
    %add3A_776 = arith.addf %sub3A_773, %add3A_775 : vector<512x128xf32>
    %lt3A_777 = arith.cmpf olt, %add3A_776, %select_n3A_763 : vector<512x128xf32>
    %select_n3A_778 = arith.select %lt3A_777, %add3A_776, %select_n3A_763 : vector<512x128xi1>, vector<512x128xf32>
    %add3A_779 = arith.constant 2.560000e+02 : f32
    %add3A_780 = vector.broadcast %add3A_779 : f32 to vector<512x128xf32>
    %add3A_781 = arith.addf %convert_element_type3A, %add3A_780 : vector<512x128xf32>
    %select_n3A_782 = arith.select %lt3A_777, %add3A_781, %select_n3A_767 : vector<512x128xi1>, vector<512x128xf32>
    %slice3A_783 = vector.extract_strided_slice %dot_general3A_9 {offsets = [0, 6528], sizes = [512, 128], strides = [1, 1]} : vector<512x8192xf32> to vector<512x128xf32>
    %mul3A_784 = arith.constant 2.000000e+00 : f32
    %mul3A_785 = vector.broadcast %mul3A_784 : f32 to vector<512x128xf32>
    %mul3A_786 = arith.mulf %mul3A_785, %slice3A_783 : vector<512x128xf32>
    %sub3A_787 = vector.broadcast %get3A_7 : vector<512x1xf32> to vector<512x128xf32>
    %sub3A_788 = arith.subf %sub3A_787, %mul3A_786 : vector<512x128xf32>
    %slice3A_789 = vector.extract_strided_slice %broadcast_in_dim3A {offsets = [0, 6528], sizes = [1, 128], strides = [1, 1]} : vector<1x8192xf32> to vector<1x128xf32>
    %add3A_790 = vector.broadcast %slice3A_789 : vector<1x128xf32> to vector<512x128xf32>
    %add3A_791 = arith.addf %sub3A_788, %add3A_790 : vector<512x128xf32>
    %lt3A_792 = arith.cmpf olt, %add3A_791, %select_n3A_778 : vector<512x128xf32>
    %select_n3A_793 = arith.select %lt3A_792, %add3A_791, %select_n3A_778 : vector<512x128xi1>, vector<512x128xf32>
    %add3A_794 = arith.constant 3.840000e+02 : f32
    %add3A_795 = vector.broadcast %add3A_794 : f32 to vector<512x128xf32>
    %add3A_796 = arith.addf %convert_element_type3A, %add3A_795 : vector<512x128xf32>
    %select_n3A_797 = arith.select %lt3A_792, %add3A_796, %select_n3A_782 : vector<512x128xi1>, vector<512x128xf32>
    %slice3A_798 = vector.extract_strided_slice %dot_general3A_9 {offsets = [0, 6656], sizes = [512, 128], strides = [1, 1]} : vector<512x8192xf32> to vector<512x128xf32>
    %mul3A_799 = arith.constant 2.000000e+00 : f32
    %mul3A_800 = vector.broadcast %mul3A_799 : f32 to vector<512x128xf32>
    %mul3A_801 = arith.mulf %mul3A_800, %slice3A_798 : vector<512x128xf32>
    %sub3A_802 = vector.broadcast %get3A_7 : vector<512x1xf32> to vector<512x128xf32>
    %sub3A_803 = arith.subf %sub3A_802, %mul3A_801 : vector<512x128xf32>
    %slice3A_804 = vector.extract_strided_slice %broadcast_in_dim3A {offsets = [0, 6656], sizes = [1, 128], strides = [1, 1]} : vector<1x8192xf32> to vector<1x128xf32>
    %add3A_805 = vector.broadcast %slice3A_804 : vector<1x128xf32> to vector<512x128xf32>
    %add3A_806 = arith.addf %sub3A_803, %add3A_805 : vector<512x128xf32>
    %lt3A_807 = arith.cmpf olt, %add3A_806, %select_n3A_793 : vector<512x128xf32>
    %select_n3A_808 = arith.select %lt3A_807, %add3A_806, %select_n3A_793 : vector<512x128xi1>, vector<512x128xf32>
    %add3A_809 = arith.constant 5.120000e+02 : f32
    %add3A_810 = vector.broadcast %add3A_809 : f32 to vector<512x128xf32>
    %add3A_811 = arith.addf %convert_element_type3A, %add3A_810 : vector<512x128xf32>
    %select_n3A_812 = arith.select %lt3A_807, %add3A_811, %select_n3A_797 : vector<512x128xi1>, vector<512x128xf32>
    %slice3A_813 = vector.extract_strided_slice %dot_general3A_9 {offsets = [0, 6784], sizes = [512, 128], strides = [1, 1]} : vector<512x8192xf32> to vector<512x128xf32>
    %mul3A_814 = arith.constant 2.000000e+00 : f32
    %mul3A_815 = vector.broadcast %mul3A_814 : f32 to vector<512x128xf32>
    %mul3A_816 = arith.mulf %mul3A_815, %slice3A_813 : vector<512x128xf32>
    %sub3A_817 = vector.broadcast %get3A_7 : vector<512x1xf32> to vector<512x128xf32>
    %sub3A_818 = arith.subf %sub3A_817, %mul3A_816 : vector<512x128xf32>
    %slice3A_819 = vector.extract_strided_slice %broadcast_in_dim3A {offsets = [0, 6784], sizes = [1, 128], strides = [1, 1]} : vector<1x8192xf32> to vector<1x128xf32>
    %add3A_820 = vector.broadcast %slice3A_819 : vector<1x128xf32> to vector<512x128xf32>
    %add3A_821 = arith.addf %sub3A_818, %add3A_820 : vector<512x128xf32>
    %lt3A_822 = arith.cmpf olt, %add3A_821, %select_n3A_808 : vector<512x128xf32>
    %select_n3A_823 = arith.select %lt3A_822, %add3A_821, %select_n3A_808 : vector<512x128xi1>, vector<512x128xf32>
    %add3A_824 = arith.constant 6.400000e+02 : f32
    %add3A_825 = vector.broadcast %add3A_824 : f32 to vector<512x128xf32>
    %add3A_826 = arith.addf %convert_element_type3A, %add3A_825 : vector<512x128xf32>
    %select_n3A_827 = arith.select %lt3A_822, %add3A_826, %select_n3A_812 : vector<512x128xi1>, vector<512x128xf32>
    %slice3A_828 = vector.extract_strided_slice %dot_general3A_9 {offsets = [0, 6912], sizes = [512, 128], strides = [1, 1]} : vector<512x8192xf32> to vector<512x128xf32>
    %mul3A_829 = arith.constant 2.000000e+00 : f32
    %mul3A_830 = vector.broadcast %mul3A_829 : f32 to vector<512x128xf32>
    %mul3A_831 = arith.mulf %mul3A_830, %slice3A_828 : vector<512x128xf32>
    %sub3A_832 = vector.broadcast %get3A_7 : vector<512x1xf32> to vector<512x128xf32>
    %sub3A_833 = arith.subf %sub3A_832, %mul3A_831 : vector<512x128xf32>
    %slice3A_834 = vector.extract_strided_slice %broadcast_in_dim3A {offsets = [0, 6912], sizes = [1, 128], strides = [1, 1]} : vector<1x8192xf32> to vector<1x128xf32>
    %add3A_835 = vector.broadcast %slice3A_834 : vector<1x128xf32> to vector<512x128xf32>
    %add3A_836 = arith.addf %sub3A_833, %add3A_835 : vector<512x128xf32>
    %lt3A_837 = arith.cmpf olt, %add3A_836, %select_n3A_823 : vector<512x128xf32>
    %select_n3A_838 = arith.select %lt3A_837, %add3A_836, %select_n3A_823 : vector<512x128xi1>, vector<512x128xf32>
    %add3A_839 = arith.constant 7.680000e+02 : f32
    %add3A_840 = vector.broadcast %add3A_839 : f32 to vector<512x128xf32>
    %add3A_841 = arith.addf %convert_element_type3A, %add3A_840 : vector<512x128xf32>
    %select_n3A_842 = arith.select %lt3A_837, %add3A_841, %select_n3A_827 : vector<512x128xi1>, vector<512x128xf32>
    %slice3A_843 = vector.extract_strided_slice %dot_general3A_9 {offsets = [0, 7040], sizes = [512, 128], strides = [1, 1]} : vector<512x8192xf32> to vector<512x128xf32>
    %mul3A_844 = arith.constant 2.000000e+00 : f32
    %mul3A_845 = vector.broadcast %mul3A_844 : f32 to vector<512x128xf32>
    %mul3A_846 = arith.mulf %mul3A_845, %slice3A_843 : vector<512x128xf32>
    %sub3A_847 = vector.broadcast %get3A_7 : vector<512x1xf32> to vector<512x128xf32>
    %sub3A_848 = arith.subf %sub3A_847, %mul3A_846 : vector<512x128xf32>
    %slice3A_849 = vector.extract_strided_slice %broadcast_in_dim3A {offsets = [0, 7040], sizes = [1, 128], strides = [1, 1]} : vector<1x8192xf32> to vector<1x128xf32>
    %add3A_850 = vector.broadcast %slice3A_849 : vector<1x128xf32> to vector<512x128xf32>
    %add3A_851 = arith.addf %sub3A_848, %add3A_850 : vector<512x128xf32>
    %lt3A_852 = arith.cmpf olt, %add3A_851, %select_n3A_838 : vector<512x128xf32>
    %select_n3A_853 = arith.select %lt3A_852, %add3A_851, %select_n3A_838 : vector<512x128xi1>, vector<512x128xf32>
    %add3A_854 = arith.constant 8.960000e+02 : f32
    %add3A_855 = vector.broadcast %add3A_854 : f32 to vector<512x128xf32>
    %add3A_856 = arith.addf %convert_element_type3A, %add3A_855 : vector<512x128xf32>
    %select_n3A_857 = arith.select %lt3A_852, %add3A_856, %select_n3A_842 : vector<512x128xi1>, vector<512x128xf32>
    %slice3A_858 = vector.extract_strided_slice %dot_general3A_9 {offsets = [0, 7168], sizes = [512, 128], strides = [1, 1]} : vector<512x8192xf32> to vector<512x128xf32>
    %mul3A_859 = arith.constant 2.000000e+00 : f32
    %mul3A_860 = vector.broadcast %mul3A_859 : f32 to vector<512x128xf32>
    %mul3A_861 = arith.mulf %mul3A_860, %slice3A_858 : vector<512x128xf32>
    %sub3A_862 = vector.broadcast %get3A_7 : vector<512x1xf32> to vector<512x128xf32>
    %sub3A_863 = arith.subf %sub3A_862, %mul3A_861 : vector<512x128xf32>
    %slice3A_864 = vector.extract_strided_slice %broadcast_in_dim3A {offsets = [0, 7168], sizes = [1, 128], strides = [1, 1]} : vector<1x8192xf32> to vector<1x128xf32>
    %add3A_865 = vector.broadcast %slice3A_864 : vector<1x128xf32> to vector<512x128xf32>
    %add3A_866 = arith.addf %sub3A_863, %add3A_865 : vector<512x128xf32>
    %lt3A_867 = arith.cmpf olt, %add3A_866, %select_n3A_853 : vector<512x128xf32>
    %select_n3A_868 = arith.select %lt3A_867, %add3A_866, %select_n3A_853 : vector<512x128xi1>, vector<512x128xf32>
    %add3A_869 = arith.constant 1.024000e+03 : f32
    %add3A_870 = vector.broadcast %add3A_869 : f32 to vector<512x128xf32>
    %add3A_871 = arith.addf %convert_element_type3A, %add3A_870 : vector<512x128xf32>
    %select_n3A_872 = arith.select %lt3A_867, %add3A_871, %select_n3A_857 : vector<512x128xi1>, vector<512x128xf32>
    %slice3A_873 = vector.extract_strided_slice %dot_general3A_9 {offsets = [0, 7296], sizes = [512, 128], strides = [1, 1]} : vector<512x8192xf32> to vector<512x128xf32>
    %mul3A_874 = arith.constant 2.000000e+00 : f32
    %mul3A_875 = vector.broadcast %mul3A_874 : f32 to vector<512x128xf32>
    %mul3A_876 = arith.mulf %mul3A_875, %slice3A_873 : vector<512x128xf32>
    %sub3A_877 = vector.broadcast %get3A_7 : vector<512x1xf32> to vector<512x128xf32>
    %sub3A_878 = arith.subf %sub3A_877, %mul3A_876 : vector<512x128xf32>
    %slice3A_879 = vector.extract_strided_slice %broadcast_in_dim3A {offsets = [0, 7296], sizes = [1, 128], strides = [1, 1]} : vector<1x8192xf32> to vector<1x128xf32>
    %add3A_880 = vector.broadcast %slice3A_879 : vector<1x128xf32> to vector<512x128xf32>
    %add3A_881 = arith.addf %sub3A_878, %add3A_880 : vector<512x128xf32>
    %lt3A_882 = arith.cmpf olt, %add3A_881, %select_n3A_868 : vector<512x128xf32>
    %select_n3A_883 = arith.select %lt3A_882, %add3A_881, %select_n3A_868 : vector<512x128xi1>, vector<512x128xf32>
    %add3A_884 = arith.constant 1.152000e+03 : f32
    %add3A_885 = vector.broadcast %add3A_884 : f32 to vector<512x128xf32>
    %add3A_886 = arith.addf %convert_element_type3A, %add3A_885 : vector<512x128xf32>
    %select_n3A_887 = arith.select %lt3A_882, %add3A_886, %select_n3A_872 : vector<512x128xi1>, vector<512x128xf32>
    %slice3A_888 = vector.extract_strided_slice %dot_general3A_9 {offsets = [0, 7424], sizes = [512, 128], strides = [1, 1]} : vector<512x8192xf32> to vector<512x128xf32>
    %mul3A_889 = arith.constant 2.000000e+00 : f32
    %mul3A_890 = vector.broadcast %mul3A_889 : f32 to vector<512x128xf32>
    %mul3A_891 = arith.mulf %mul3A_890, %slice3A_888 : vector<512x128xf32>
    %sub3A_892 = vector.broadcast %get3A_7 : vector<512x1xf32> to vector<512x128xf32>
    %sub3A_893 = arith.subf %sub3A_892, %mul3A_891 : vector<512x128xf32>
    %slice3A_894 = vector.extract_strided_slice %broadcast_in_dim3A {offsets = [0, 7424], sizes = [1, 128], strides = [1, 1]} : vector<1x8192xf32> to vector<1x128xf32>
    %add3A_895 = vector.broadcast %slice3A_894 : vector<1x128xf32> to vector<512x128xf32>
    %add3A_896 = arith.addf %sub3A_893, %add3A_895 : vector<512x128xf32>
    %lt3A_897 = arith.cmpf olt, %add3A_896, %select_n3A_883 : vector<512x128xf32>
    %select_n3A_898 = arith.select %lt3A_897, %add3A_896, %select_n3A_883 : vector<512x128xi1>, vector<512x128xf32>
    %add3A_899 = arith.constant 1.280000e+03 : f32
    %add3A_900 = vector.broadcast %add3A_899 : f32 to vector<512x128xf32>
    %add3A_901 = arith.addf %convert_element_type3A, %add3A_900 : vector<512x128xf32>
    %select_n3A_902 = arith.select %lt3A_897, %add3A_901, %select_n3A_887 : vector<512x128xi1>, vector<512x128xf32>
    %slice3A_903 = vector.extract_strided_slice %dot_general3A_9 {offsets = [0, 7552], sizes = [512, 128], strides = [1, 1]} : vector<512x8192xf32> to vector<512x128xf32>
    %mul3A_904 = arith.constant 2.000000e+00 : f32
    %mul3A_905 = vector.broadcast %mul3A_904 : f32 to vector<512x128xf32>
    %mul3A_906 = arith.mulf %mul3A_905, %slice3A_903 : vector<512x128xf32>
    %sub3A_907 = vector.broadcast %get3A_7 : vector<512x1xf32> to vector<512x128xf32>
    %sub3A_908 = arith.subf %sub3A_907, %mul3A_906 : vector<512x128xf32>
    %slice3A_909 = vector.extract_strided_slice %broadcast_in_dim3A {offsets = [0, 7552], sizes = [1, 128], strides = [1, 1]} : vector<1x8192xf32> to vector<1x128xf32>
    %add3A_910 = vector.broadcast %slice3A_909 : vector<1x128xf32> to vector<512x128xf32>
    %add3A_911 = arith.addf %sub3A_908, %add3A_910 : vector<512x128xf32>
    %lt3A_912 = arith.cmpf olt, %add3A_911, %select_n3A_898 : vector<512x128xf32>
    %select_n3A_913 = arith.select %lt3A_912, %add3A_911, %select_n3A_898 : vector<512x128xi1>, vector<512x128xf32>
    %add3A_914 = arith.constant 1.408000e+03 : f32
    %add3A_915 = vector.broadcast %add3A_914 : f32 to vector<512x128xf32>
    %add3A_916 = arith.addf %convert_element_type3A, %add3A_915 : vector<512x128xf32>
    %select_n3A_917 = arith.select %lt3A_912, %add3A_916, %select_n3A_902 : vector<512x128xi1>, vector<512x128xf32>
    %slice3A_918 = vector.extract_strided_slice %dot_general3A_9 {offsets = [0, 7680], sizes = [512, 128], strides = [1, 1]} : vector<512x8192xf32> to vector<512x128xf32>
    %mul3A_919 = arith.constant 2.000000e+00 : f32
    %mul3A_920 = vector.broadcast %mul3A_919 : f32 to vector<512x128xf32>
    %mul3A_921 = arith.mulf %mul3A_920, %slice3A_918 : vector<512x128xf32>
    %sub3A_922 = vector.broadcast %get3A_7 : vector<512x1xf32> to vector<512x128xf32>
    %sub3A_923 = arith.subf %sub3A_922, %mul3A_921 : vector<512x128xf32>
    %slice3A_924 = vector.extract_strided_slice %broadcast_in_dim3A {offsets = [0, 7680], sizes = [1, 128], strides = [1, 1]} : vector<1x8192xf32> to vector<1x128xf32>
    %add3A_925 = vector.broadcast %slice3A_924 : vector<1x128xf32> to vector<512x128xf32>
    %add3A_926 = arith.addf %sub3A_923, %add3A_925 : vector<512x128xf32>
    %lt3A_927 = arith.cmpf olt, %add3A_926, %select_n3A_913 : vector<512x128xf32>
    %select_n3A_928 = arith.select %lt3A_927, %add3A_926, %select_n3A_913 : vector<512x128xi1>, vector<512x128xf32>
    %add3A_929 = arith.constant 1.536000e+03 : f32
    %add3A_930 = vector.broadcast %add3A_929 : f32 to vector<512x128xf32>
    %add3A_931 = arith.addf %convert_element_type3A, %add3A_930 : vector<512x128xf32>
    %select_n3A_932 = arith.select %lt3A_927, %add3A_931, %select_n3A_917 : vector<512x128xi1>, vector<512x128xf32>
    %slice3A_933 = vector.extract_strided_slice %dot_general3A_9 {offsets = [0, 7808], sizes = [512, 128], strides = [1, 1]} : vector<512x8192xf32> to vector<512x128xf32>
    %mul3A_934 = arith.constant 2.000000e+00 : f32
    %mul3A_935 = vector.broadcast %mul3A_934 : f32 to vector<512x128xf32>
    %mul3A_936 = arith.mulf %mul3A_935, %slice3A_933 : vector<512x128xf32>
    %sub3A_937 = vector.broadcast %get3A_7 : vector<512x1xf32> to vector<512x128xf32>
    %sub3A_938 = arith.subf %sub3A_937, %mul3A_936 : vector<512x128xf32>
    %slice3A_939 = vector.extract_strided_slice %broadcast_in_dim3A {offsets = [0, 7808], sizes = [1, 128], strides = [1, 1]} : vector<1x8192xf32> to vector<1x128xf32>
    %add3A_940 = vector.broadcast %slice3A_939 : vector<1x128xf32> to vector<512x128xf32>
    %add3A_941 = arith.addf %sub3A_938, %add3A_940 : vector<512x128xf32>
    %lt3A_942 = arith.cmpf olt, %add3A_941, %select_n3A_928 : vector<512x128xf32>
    %select_n3A_943 = arith.select %lt3A_942, %add3A_941, %select_n3A_928 : vector<512x128xi1>, vector<512x128xf32>
    %add3A_944 = arith.constant 1.664000e+03 : f32
    %add3A_945 = vector.broadcast %add3A_944 : f32 to vector<512x128xf32>
    %add3A_946 = arith.addf %convert_element_type3A, %add3A_945 : vector<512x128xf32>
    %select_n3A_947 = arith.select %lt3A_942, %add3A_946, %select_n3A_932 : vector<512x128xi1>, vector<512x128xf32>
    %slice3A_948 = vector.extract_strided_slice %dot_general3A_9 {offsets = [0, 7936], sizes = [512, 128], strides = [1, 1]} : vector<512x8192xf32> to vector<512x128xf32>
    %mul3A_949 = arith.constant 2.000000e+00 : f32
    %mul3A_950 = vector.broadcast %mul3A_949 : f32 to vector<512x128xf32>
    %mul3A_951 = arith.mulf %mul3A_950, %slice3A_948 : vector<512x128xf32>
    %sub3A_952 = vector.broadcast %get3A_7 : vector<512x1xf32> to vector<512x128xf32>
    %sub3A_953 = arith.subf %sub3A_952, %mul3A_951 : vector<512x128xf32>
    %slice3A_954 = vector.extract_strided_slice %broadcast_in_dim3A {offsets = [0, 7936], sizes = [1, 128], strides = [1, 1]} : vector<1x8192xf32> to vector<1x128xf32>
    %add3A_955 = vector.broadcast %slice3A_954 : vector<1x128xf32> to vector<512x128xf32>
    %add3A_956 = arith.addf %sub3A_953, %add3A_955 : vector<512x128xf32>
    %lt3A_957 = arith.cmpf olt, %add3A_956, %select_n3A_943 : vector<512x128xf32>
    %select_n3A_958 = arith.select %lt3A_957, %add3A_956, %select_n3A_943 : vector<512x128xi1>, vector<512x128xf32>
    %add3A_959 = arith.constant 1.792000e+03 : f32
    %add3A_960 = vector.broadcast %add3A_959 : f32 to vector<512x128xf32>
    %add3A_961 = arith.addf %convert_element_type3A, %add3A_960 : vector<512x128xf32>
    %select_n3A_962 = arith.select %lt3A_957, %add3A_961, %select_n3A_947 : vector<512x128xi1>, vector<512x128xf32>
    %slice3A_963 = vector.extract_strided_slice %dot_general3A_9 {offsets = [0, 8064], sizes = [512, 128], strides = [1, 1]} : vector<512x8192xf32> to vector<512x128xf32>
    %mul3A_964 = arith.constant 2.000000e+00 : f32
    %mul3A_965 = vector.broadcast %mul3A_964 : f32 to vector<512x128xf32>
    %mul3A_966 = arith.mulf %mul3A_965, %slice3A_963 : vector<512x128xf32>
    %sub3A_967 = vector.broadcast %get3A_7 : vector<512x1xf32> to vector<512x128xf32>
    %sub3A_968 = arith.subf %sub3A_967, %mul3A_966 : vector<512x128xf32>
    %slice3A_969 = vector.extract_strided_slice %broadcast_in_dim3A {offsets = [0, 8064], sizes = [1, 128], strides = [1, 1]} : vector<1x8192xf32> to vector<1x128xf32>
    %add3A_970 = vector.broadcast %slice3A_969 : vector<1x128xf32> to vector<512x128xf32>
    %add3A_971 = arith.addf %sub3A_968, %add3A_970 : vector<512x128xf32>
    %lt3A_972 = arith.cmpf olt, %add3A_971, %select_n3A_958 : vector<512x128xf32>
    %select_n3A_973 = arith.select %lt3A_972, %add3A_971, %select_n3A_958 : vector<512x128xi1>, vector<512x128xf32>
    %add3A_974 = arith.constant 1.920000e+03 : f32
    %add3A_975 = vector.broadcast %add3A_974 : f32 to vector<512x128xf32>
    %add3A_976 = arith.addf %convert_element_type3A, %add3A_975 : vector<512x128xf32>
    %select_n3A_977 = arith.select %lt3A_972, %add3A_976, %select_n3A_962 : vector<512x128xi1>, vector<512x128xf32>
    %reduce_min3A_978 = arith.constant dense<0x7F800000> : vector<512xf32>
    %reduce_min3A_979 = vector.multi_reduction <minimumf>, %select_n3A_973, %reduce_min3A_978 [1] : vector<512x128xf32> to vector<512xf32>
    %broadcast_in_dim3A_980 = vector.shape_cast %reduce_min3A_979 : vector<512xf32> to vector<512x1xf32>
    %eq3A_981 = vector.broadcast %broadcast_in_dim3A_980 : vector<512x1xf32> to vector<512x128xf32>
    %eq3A_982 = arith.cmpf oeq, %select_n3A_973, %eq3A_981 : vector<512x128xf32>
    %jit3A_983 = arith.constant 2.048000e+03 : f32
    %broadcast_in_dim3A_984 = vector.broadcast %jit3A_983 : f32 to vector<512x128xf32>
    %select_n3A_985 = arith.select %eq3A_982, %select_n3A_977, %broadcast_in_dim3A_984 : vector<512x128xi1>, vector<512x128xf32>
    %reduce_min3A_986 = arith.constant dense<0x7F800000> : vector<512xf32>
    %reduce_min3A_987 = vector.multi_reduction <minimumf>, %select_n3A_985, %reduce_min3A_986 [1] : vector<512x128xf32> to vector<512xf32>
    %squeeze3A_988 = vector.shape_cast %broadcast_in_dim3A_980 : vector<512x1xf32> to vector<512xf32>
    %add3A_989 = arith.constant 6.144000e+03 : f32
    %add3A_990 = vector.broadcast %add3A_989 : f32 to vector<512xf32>
    %add3A_991 = arith.addf %reduce_min3A_987, %add3A_990 : vector<512xf32>
    %convert_element_type3A_992 = arith.truncf %squeeze3A : vector<512xf32> to vector<512xbf16>
    %convert_element_type3A_993 = arith.extf %convert_element_type3A_992 : vector<512xbf16> to vector<512xf32>
    %lt3A_994 = arith.cmpf olt, %squeeze3A_492, %convert_element_type3A_993 : vector<512xf32>
    %select_n3A_995 = arith.select %lt3A_994, %squeeze3A_492, %squeeze3A : vector<512xi1>, vector<512xf32>
    %select_n3A_996 = arith.select %lt3A_994, %add3A_495, %add3A_247 : vector<512xi1>, vector<512xf32>
    %convert_element_type3A_997 = arith.truncf %squeeze3A_740 : vector<512xf32> to vector<512xbf16>
    %convert_element_type3A_998 = arith.extf %convert_element_type3A_997 : vector<512xbf16> to vector<512xf32>
    %lt3A_999 = arith.cmpf olt, %squeeze3A_988, %convert_element_type3A_998 : vector<512xf32>
    %select_n3A_1000 = arith.select %lt3A_999, %squeeze3A_988, %squeeze3A_740 : vector<512xi1>, vector<512xf32>
    %select_n3A_1001 = arith.select %lt3A_999, %add3A_991, %add3A_743 : vector<512xi1>, vector<512xf32>
    %convert_element_type3A_1002 = arith.truncf %select_n3A_995 : vector<512xf32> to vector<512xbf16>
    %convert_element_type3A_1003 = arith.extf %convert_element_type3A_1002 : vector<512xbf16> to vector<512xf32>
    %lt3A_1004 = arith.cmpf olt, %select_n3A_1000, %convert_element_type3A_1003 : vector<512xf32>
    %select_n3A_1005 = arith.select %lt3A_1004, %select_n3A_1000, %select_n3A_995 : vector<512xi1>, vector<512xf32>
    %select_n3A_1006 = arith.select %lt3A_1004, %select_n3A_1001, %select_n3A_996 : vector<512xi1>, vector<512xf32>
    %convert_element_type3A_1007 = arith.fptosi %select_n3A_1006 : vector<512xf32> to vector<512xi32>
    %swap3A = arith.constant 0 : index
    %swap3A_1008 = arith.constant 0 : index
    %swap3A_1009 = arith.constant 0 : index
    %swap3A_1010 = vector.load %arg4[%swap3A, %swap3A_1008, %swap3A_1009] : memref<1x1x512xi32, #tpu.memory_space<vmem>>, vector<1x1x512xi32>
    %swap3A_1011 = vector.shape_cast %swap3A_1010 : vector<1x1x512xi32> to vector<512xi32>
    %swap3A_1012 = vector.shape_cast %convert_element_type3A_1007 : vector<512xi32> to vector<1x1x512xi32>
    tpu.vector_store %arg4[%swap3A, %swap3A_1008, %swap3A_1009], %swap3A_1012 {strides = array<i32>} : memref<1x1x512xi32, #tpu.memory_space<vmem>>, vector<1x1x512xi32>,
    %reduce_sum3A_1013 = vector.shape_cast %select_n3A_1005 : vector<512xf32> to vector<1x512xf32>
    %reduce_sum3A_1014 = arith.constant dense<0.000000e+00> : vector<1xf32>
    %reduce_sum3A_1015 = vector.multi_reduction <add>, %reduce_sum3A_1013, %reduce_sum3A_1014 [1] : vector<1x512xf32> to vector<1xf32>
    %reduce_sum3A_1016 = vector.shape_cast %reduce_sum3A_1015 : vector<1xf32> to vector<1x1xf32>
    %reduce_sum3A_1017 = vector.extract %reduce_sum3A_1016[0, 0] : f32 from vector<1x1xf32>
    %broadcast_in_dim3A_1018 = vector.broadcast %reduce_sum3A_1017 : f32 to vector<1x1x1xf32>
    %swap3A_1019 = arith.constant 0 : index
    %swap3A_1020 = arith.constant 0 : index
    %swap3A_1021 = arith.constant 0 : index
    %swap3A_1022 = vector.load %arg5[%swap3A_1019, %swap3A_1020, %swap3A_1021] : memref<1x1x1xf32, #tpu.memory_space<vmem>>, vector<1x1x1xf32>
    tpu.vector_store %arg5[%swap3A_1019, %swap3A_1020, %swap3A_1021], %broadcast_in_dim3A_1018 {strides = array<i32>} : memref<1x1x1xf32, #tpu.memory_space<vmem>>, vector<1x1x1xf32>,
    return
  }
  func.func @transform_0(%arg0: i32) -> (i32, i32) {
    %c0_i32 = arith.constant 0 : i32
    %c0_i32_0 = arith.constant 0 : i32
    return %arg0, %c0_i32 : i32, i32
  }
  func.func @transform_1(%arg0: i32) -> (i32, i32) {
    %c0_i32 = arith.constant 0 : i32
    %c0_i32_0 = arith.constant 0 : i32
    %c0_i32_1 = arith.constant 0 : i32
    return %c0_i32, %c0_i32_0 : i32, i32
  }
  func.func @transform_2(%arg0: i32) -> (i32, i32) {
    %c0_i32 = arith.constant 0 : i32
    %c0_i32_0 = arith.constant 0 : i32
    return %arg0, %c0_i32 : i32, i32
  }
  func.func @transform_3(%arg0: i32) -> (i32, i32, i32) {
    %c0_i32 = arith.constant 0 : i32
    %c0_i32_0 = arith.constant 0 : i32
    %c0_i32_1 = arith.constant 0 : i32
    return %arg0, %c0_i32, %c0_i32_0 : i32, i32, i32
  }
  func.func @transform_4(%arg0: i32) -> (i32, i32, i32) {
    %c0_i32 = arith.constant 0 : i32
    %c0_i32_0 = arith.constant 0 : i32
    %c0_i32_1 = arith.constant 0 : i32
    return %arg0, %c0_i32, %c0_i32_0 : i32, i32, i32
  }
}

module attributes {stable_mosaic.version = 14 : i64} {
  func.func @_finish_body(%arg0: memref<2x8192xf32, #tpu.memory_space<vmem>>, %arg1: memref<16x1xf32, #tpu.memory_space<vmem>>, %arg2: memref<1x1xf32, #tpu.memory_space<vmem>>, %arg3: memref<1x1xf32, #tpu.memory_space<vmem>>) attributes {dimension_semantics = [], scalar_prefetch = 0 : i64, scratch_operands = 0 : i64, tpu.core_type = #tpu.core_type<tc>} {
    %get3A = arith.constant 0 : index
    %get3A_0 = arith.constant 0 : index
    %get3A_1 = vector.load %arg0[%get3A, %get3A_0] : memref<2x8192xf32, #tpu.memory_space<vmem>>, vector<1x8192xf32>
    %get3A_2 = arith.constant 1 : index
    %get3A_3 = arith.constant 0 : index
    %get3A_4 = vector.load %arg0[%get3A_2, %get3A_3] : memref<2x8192xf32, #tpu.memory_space<vmem>>, vector<1x8192xf32>
    %add3A = arith.addf %get3A_1, %get3A_4 : vector<1x8192xf32>
    %div3A = arith.constant 8.192000e+03 : f32
    %div3A_5 = vector.broadcast %div3A : f32 to vector<1x8192xf32>
    %div3A_6 = arith.divf %add3A, %div3A_5 : vector<1x8192xf32>
    %add3A_7 = arith.constant 1.000000e-10 : f32
    %add3A_8 = vector.broadcast %add3A_7 : f32 to vector<1x8192xf32>
    %add3A_9 = arith.addf %div3A_6, %add3A_8 : vector<1x8192xf32>
    %log3A = math.log %add3A_9 : vector<1x8192xf32>
    %mul3A = arith.mulf %div3A_6, %log3A : vector<1x8192xf32>
    %reduce_sum3A = vector.shape_cast %mul3A : vector<1x8192xf32> to vector<1x1x8192xf32>
    %reduce_sum3A_10 = arith.constant dense<0.000000e+00> : vector<1xf32>
    %reduce_sum3A_11 = vector.multi_reduction <add>, %reduce_sum3A, %reduce_sum3A_10 [1, 2] : vector<1x1x8192xf32> to vector<1xf32>
    %reduce_sum3A_12 = vector.shape_cast %reduce_sum3A_11 : vector<1xf32> to vector<1x1x1xf32>
    %reduce_sum3A_13 = vector.extract %reduce_sum3A_12[0, 0, 0] : f32 from vector<1x1x1xf32>
    %broadcast_in_dim3A = vector.broadcast %reduce_sum3A_13 : f32 to vector<1x1xf32>
    %neg3A = arith.constant 0.000000e+00 : f32
    %neg3A_14 = vector.broadcast %neg3A : f32 to vector<1x1xf32>
    %neg3A_15 = arith.subf %neg3A_14, %broadcast_in_dim3A : vector<1x1xf32>
    %exp3A = math.exp %neg3A_15 : vector<1x1xf32>
    %swap3A = arith.constant 0 : index
    %swap3A_16 = arith.constant 0 : index
    %swap3A_17 = vector.load %arg2[%swap3A, %swap3A_16] : memref<1x1xf32, #tpu.memory_space<vmem>>, vector<1x1xf32>
    tpu.vector_store %arg2[%swap3A, %swap3A_16], %exp3A {strides = array<i32>} : memref<1x1xf32, #tpu.memory_space<vmem>>, vector<1x1xf32>,
    %get3A_18 = arith.constant 0 : index
    %get3A_19 = arith.constant 0 : index
    %get3A_20 = vector.load %arg1[%get3A_18, %get3A_19] : memref<16x1xf32, #tpu.memory_space<vmem>>, vector<16x1xf32>
    %reduce_sum3A_21 = vector.shape_cast %get3A_20 : vector<16x1xf32> to vector<1x16x1xf32>
    %reduce_sum3A_22 = arith.constant dense<0.000000e+00> : vector<1xf32>
    %reduce_sum3A_23 = vector.multi_reduction <add>, %reduce_sum3A_21, %reduce_sum3A_22 [1, 2] : vector<1x16x1xf32> to vector<1xf32>
    %reduce_sum3A_24 = vector.shape_cast %reduce_sum3A_23 : vector<1xf32> to vector<1x1x1xf32>
    %reduce_sum3A_25 = vector.extract %reduce_sum3A_24[0, 0, 0] : f32 from vector<1x1x1xf32>
    %div3A_26 = arith.constant 2.621440e+05 : f32
    %div3A_27 = arith.divf %reduce_sum3A_25, %div3A_26 : f32
    %mul3A_28 = arith.constant 2.500000e-01 : f32
    %mul3A_29 = arith.mulf %mul3A_28, %div3A_27 : f32
    %add3A_30 = arith.addf %mul3A_29, %div3A_27 : f32
    %broadcast_in_dim3A_31 = vector.broadcast %add3A_30 : f32 to vector<1x1xf32>
    %swap3A_32 = arith.constant 0 : index
    %swap3A_33 = arith.constant 0 : index
    %swap3A_34 = vector.load %arg3[%swap3A_32, %swap3A_33] : memref<1x1xf32, #tpu.memory_space<vmem>>, vector<1x1xf32>
    tpu.vector_store %arg3[%swap3A_32, %swap3A_33], %broadcast_in_dim3A_31 {strides = array<i32>} : memref<1x1xf32, #tpu.memory_space<vmem>>, vector<1x1xf32>,
    return
  }
}

</mosaic_0001>

<sc_bundles>
// kernel: kernel.5.cloned.1.call-start
scs
__scs_entry_jumppad:
0x0: {  	(pc) =	sbr.rel $0x88, $3  }
0x1: {  	(tag) =	ssettag $0x0;
	lr =	simm.s32 $0x1  }
0x2: {  	[smem:$0x3F9F] =	sst lr;
	_ =	strace $0xD0000000  }
0x3: {  	_ = 	snop  }
0x4: {  	_ = 	snop  }
0x5: {  	_ = 	snop  }
0x6: {  	_ = 	snop  }
0x7: {  	_ = 	snop  }
__scs_overlays_trampoline_lowered:
0x8: {  	[smem:$0x3FAE] =	sst s0  }
0x9: {  	[smem:$0x3FAF] =	sst s1  }
0xa: {  	[smem:$0x3FB0] =	sst s2  }
0xb: {  	[smem:$0x3FB1] =	sst s3  }
0xc: {  	[smem:$0x3FB2] =	sst s4  }
0xd: {  	[smem:$0x3FB3] =	sst s5  }
0xe: {  	[smem:$0x3FB4] =	sst s6  }
0xf: {  	[smem:$0x3FB5] =	sst s7  }
0x10: {  	[smem:$0x3FB6] =	sst s8  }
0x11: {  	[smem:$0x3FB7] =	sst s9;
	s0 =	simm.s32 @!p0 $0x0  }
0x12: {  	s1 =	sld [smem:$0x3F9D];
	s0 =	simm.s32 @p0 $0x1  }
0x13: {  	[smem:$0x3FB8] =	sst s0;
	s0 =	simm.s32 @!p1 $0x0  }
0x14: {  	s2 =	sld [smem:$0x3F9C];
	s0 =	simm.s32 @p1 $0x1  }
0x15: {  	[smem:$0x3FB9] =	sst s0;
	s0 =	simm.s32 @!p2 $0x0  }
0x16: {  	s3 =	sld [smem:$0x3FDB];
	s0 =	simm.s32 @p2 $0x1  }
0x17: {  	s4 =	simm.s32 $0x1BF5;
	[smem:$0x3FBB] =	sst s0  }
0x18: {  	s0 =	sld [smem:$0x3F9E];
	_ =	swait.ge [sflag:s4], $0x0  }
0x19: {  	s7 =	sld [smem:$0x3F9F]  }
0x1a: {  	s8 =	sadd.s32 $0xFFFFE003, lr  }
0x1b: {  	s9 =	sadd.s32 $0xFFFFFEF7, lr;
	s5 =	simm.s32 $0xFFFFFFFF;
	p2 =	slt.u32 s8, $0xFFFFF086  }
0x1c: {  	p1 =	slt.u32 s9, $0xF7A;
	s5 =	simm.s32 @!p2 $0x0  }
0x1d: {  	s5 =	simm.s32 @p1 $0x1;
	p0 =	seq.s32 s7, s2  }
0x1e: {  	s7 =	smul.u32 @!p0 $0xF7A, s2;
	p2 =	seq.s32 @!p0 s5, $0x0  }
0x1f: {  	s9 =	smul.u32 $0xF7A, s1;
	s8 =	simm.s32 @!p0 $0x1BF5;
	p2 =	por !p2, p0  }
0x20: {  	[sflag:s8] =	ssyncset.s32 @!p0 $0xFFFFF086;
	s6 =	sadd.s32 @!p0 s3, s7;
	s7 =	simm.s32 @!p0 $0x108  }
0x21: {  	s3 =	sadd.s32 s3, s9;
	s6 =	sadd.s32 @!p0 $0x88, s6;
	s7 =	simm.s32 @p2 $0x1082  }
0x22: {  	[simem:s7], [sflag:s8] =	dma.local @!p0 [hbm:s6], $0xF7A  }
0x23: {  	s9 =	sor.u32 $0xD0000000, s2;
	s6 =	simm.s32 $0x108;
	_ =	swait.ge @!p0 [sflag:s8], $0x0  }
0x24: {  	s3 =	sadd.s32 $0x88, s3;
	s6 =	simm.s32 @!p1 $0x1082;
	[sflag:s4] =	ssyncset.s32 $0xFFFFF086  }
0x25: {  	[simem:s6], [sflag:s4] =	dma.local [hbm:s3], $0xF7A  }
0x26: {  	[smem:$0x3F9F] =	sst s1;
	(tag) =	ssettag s2;
	_ =	strace s9  }
0x27: {  	s1 =	sld [smem:$0x3FAF]  }
0x28: {  	s2 =	sld [smem:$0x3FB0]  }
0x29: {  	s4 =	sld [smem:$0x3FB2]  }
0x2a: {  	p0 =	seq.s32 s5, $0x0;
	s5 =	sld [smem:$0x3FB3]  }
0x2b: {  	s6 =	sld [smem:$0x3FB4]  }
0x2c: {  	s7 =	sld [smem:$0x3FB5]  }
0x2d: {  	s3 =	simm.s32 $0x108;
	s8 =	sld [smem:$0x3FB6]  }
0x2e: {  	s3 =	simm.s32 @!p0 $0x1082;
	s9 =	sld [smem:$0x3FB7]  }
0x2f: {  	lr =	sadd.s32 s0, s3;
	s0 =	sld [smem:$0x3FAE]  }
0x30: {  	s3 =	sld [smem:$0x3FB1]  }
0x31: {  	[smem:$0x3FBA] =	sst s10  }
0x32: {  	s10 =	sld [smem:$0x3FB8];
	_ =	sdelay $0x3  }
0x33: {  	p0 =	seq.s32 s10, $0x1;
	s10 =	sld [smem:$0x3FBA];
	_ =	sdelay $0x3  }
0x34: {  	[smem:$0x3FBA] =	sst s10  }
0x35: {  	s10 =	sld [smem:$0x3FB9];
	_ =	sdelay $0x3  }
0x36: {  	p1 =	seq.s32 s10, $0x1;
	s10 =	sld [smem:$0x3FBA];
	_ =	sdelay $0x3  }
0x37: {  	[smem:$0x3FBA] =	sst s10  }
0x38: {  	s10 =	sld [smem:$0x3FBB]  }
0x39: {  	_ = 	snop;
	(pc) =	sbr.ind lr, $3  }
0x3a: {  	_ = 	snop  }
0x3b: {  	_ = 	snop  }
0x3c: {  	p2 =	seq.s32 s10, $0x1;
	s10 =	sld [smem:$0x3FBA]  }
0x3d: {  	_ =	shalt  }
0x3e: {  	_ =	shalt  }
0x3f: {  	_ =	shalt  }
0x40: {  	_ =	shalt  }
0x41: {  	_ =	shalt  }
0x42: {  	_ =	shalt  }
0x43: {  	_ =	shalt  }
0x44: {  	_ =	shalt  }
0x45: {  	_ =	shalt  }
0x46: {  	_ =	shalt  }
0x47: {  	_ =	shalt  }
0x48: {  	_ =	shalt  }
0x49: {  	_ =	shalt  }
0x4a: {  	_ =	shalt  }
0x4b: {  	_ =	shalt  }
0x4c: {  	_ =	shalt  }
0x4d: {  	_ =	shalt  }
0x4e: {  	_ =	shalt  }
0x4f: {  	_ =	shalt  }
0x50: {  	_ =	shalt  }
0x51: {  	_ =	shalt  }
0x52: {  	_ =	shalt  }
0x53: {  	_ =	shalt  }
0x54: {  	_ =	shalt  }
0x55: {  	_ =	shalt  }
0x56: {  	_ =	shalt  }
0x57: {  	_ =	shalt  }
0x58: {  	_ =	shalt  }
0x59: {  	_ =	shalt  }
0x5a: {  	_ =	shalt  }
0x5b: {  	_ =	shalt  }
0x5c: {  	_ =	shalt  }
0x5d: {  	_ =	shalt  }
0x5e: {  	_ =	shalt  }
0x5f: {  	_ =	shalt  }
0x60: {  	_ =	shalt  }
0x61: {  	_ =	shalt  }
0x62: {  	_ =	shalt  }
0x63: {  	_ =	shalt  }
0x64: {  	_ =	shalt  }
0x65: {  	_ =	shalt  }
0x66: {  	_ =	shalt  }
0x67: {  	_ =	shalt  }
0x68: {  	_ =	shalt  }
0x69: {  	_ =	shalt  }
0x6a: {  	_ =	shalt  }
0x6b: {  	_ =	shalt  }
0x6c: {  	_ =	shalt  }
0x6d: {  	_ =	shalt  }
0x6e: {  	_ =	shalt  }
0x6f: {  	_ =	shalt  }
0x70: {  	_ =	shalt  }
0x71: {  	_ =	shalt  }
0x72: {  	_ =	shalt  }
0x73: {  	_ =	shalt  }
0x74: {  	_ =	shalt  }
0x75: {  	_ =	shalt  }
0x76: {  	_ =	shalt  }
0x77: {  	_ =	shalt  }
0x78: {  	_ =	shalt  }
0x79: {  	_ =	shalt  }
0x7a: {  	_ =	shalt  }
0x7b: {  	_ =	shalt  }
0x7c: {  	_ =	shalt  }
0x7d: {  	_ =	shalt  }
0x7e: {  	_ =	shalt  }
0x7f: {  	_ =	shalt  }
0x80: {  	_ =	shalt  }
0x81: {  	_ =	shalt  }
0x82: {  	_ =	shalt  }
0x83: {  	_ =	shalt  }
0x84: {  	_ =	shalt  }
0x85: {  	_ =	shalt  }
0x86: {  	_ =	shalt  }
0x87: {  	_ =	shalt  }
.Lfunc_end0:
.L_simem_size_0:
called_computation_lowered:
.L_overlay_start_0:
0x88: {  	s2 =	sld [smem:$0x3FD9]  }
0x89: {  	s3 =	sld [smem:$0x3FFE];
	_ =	sdelay $0x1  }
0x8a: {  	s1 =	srdreg.scid  }
0x8b: {  	s0 =	sand.u32 $0x1, s1  }
0x8c: {  	s14 =	sshll.u32 s0, $0xA;
	s2 =	sadd.s32 s3, s2  }
0x8d: {  	s2 =	sadd.s32 s2, s14  }
0x8e: {  	[smem:$0x3FC6] =	sst s2  }
0x8f: {  	_ = 	snop  }
0x90: {  	s2 =	sld [smem:$0x3FD0];
	_ =	sdelay $0x2  }
0x91: {  	s15 =	simm.s32 $0xA;
	s4 =	simm.s32 $0x10  }
0x92: {  	[smem:s4], [sflag:s15] =	dma.local [hbm:s2], $0x1  }
0x93: {  	_ =	swait.eq [sflag:s15], $0x1  }
0x94: {  	[sflag:s15] =	ssyncset.done $0x0  }
0x95: {  	[sflag:s15] =	ssyncadd.s32 $0xFFFFFFFF  }
0x96: {  	s16 =	sld [smem:$0x10];
	(tm) =	ssettm $0x1  }
0x97: {  	s17 =	sld [smem:$0x3FFB];
	_ =	sdelay $0x3  }
0x98: {  	_ =	strace s17  }
0x99: {  	s3 =	sld [smem:$0x3FFC];
	_ =	sdelay $0x3  }
0x9a: {  	_ =	strace s3  }
0x9b: {  	s3 =	sld [smem:$0x3FFD];
	_ =	sdelay $0x3  }
0x9c: {  	_ =	strace s3  }
0x9d: {  	_ =	strace $0x8FFFFFFF  }
0x9e: {  	s18 =	sld [smem:$0x3FDB];
	_ =	sdelay $0x1  }
0x9f: {  	s19 =	simm.s32 $_scs_section_size  }
0xa0: {  	s5 =	simm.s32 $_size__tile_overlayer_lowered;
	s6 =	simm.s32 $_tile_overlayer_lowered  }
0xa1: {  	s22 =	simm.s32 $0x1BFF;
	s21 =	sshll.u32 s6, $0x1;
	s3 =	sadd.s32 s19, s18  }
0xa2: {  	s7 =	simm.s32 $0x0;
	s20 =	sshll.u32 s5, $0x1;
	s5 =	sadd.s32 s21, s3  }
0xa3: {  	[timem:s7], [sflag:s22] =	dma.local [hbm:s5], s20  }
0xa4: {  	_ =	swait.ge [sflag:s22], s20  }
0xa5: {  	s4 =	ssub.s32 $0x0, s20;
	[sflag:s22] =	ssyncset.done $0x0  }
0xa6: {  	[sflag:s22] =	ssyncadd.s32 s4;
	_ =	sdelay $0x1  }
0xa7: {  	s23 =	simm.s32 $0x1B8B  }
0xa8: {  	_ =	swait.ge [sflag:s23], $0x1  }
0xa9: {  	[sflag:s23] =	ssyncset.done $0x0  }
0xaa: {  	s25 =	simm.s32 $0x1B8E;
	s24 =	sld [smem:$0x3FFE];
	[sflag:s23] =	ssyncadd.s32 $0xFFFFFFFF  }
0xab: {  	s26 =	simm.s32 $execute0_lowered;
	[smem:$0x3FD2] =	sst s25  }
0xac: {  	s5 =	sshll.u32 s26, $0x1;
	_ =	strace $0x80000046;
	[dreg:$0x1] =	wrdreg $0xFFFFFFFF  }
0xad: {  	s28 =	simm.s32 $_size_execute0_lowered;
	s3 =	sadd.s32 s3, s5;
	[dreg:$0x0] =	wrdreg $0x0  }
0xae: {  	s5 =	sshll.u32 s28, $0x1;
	[dreg:$0x2] =	wrdreg s3  }
0xaf: {  	[dreg:$0x3] =	wrdreg s5  }
0xb0: {  	[dreg:$0x4] =	wrdreg $0xC0  }
0xb1: {  	_ =	task [dreg:s7], $0x5FFFF  }
0xb2: {  	[dreg:$0x1] =	wrdreg $0xFFFFFFFF  }
0xb3: {  	[dreg:$0x0] =	wrdreg $0x60  }
0xb4: {  	[dreg:$0x2] =	wrdreg s16  }
0xb5: {  	[dreg:$0x3] =	wrdreg s24  }
0xb6: {  	[dreg:$0x4] =	wrdreg $0x82000  }
0xb7: {  	[dreg:$0x5] =	wrdreg $0x9  }
0xb8: {  	_ =	task.clear_ibuf [dreg:s7], $0x6FFFF;
	_ =	strace $0x90000046  }
0xb9: {  	s29 =	simm.s32 $0x9;
	_ =	strace $0x80000048  }
0xba: {  	_ =	swait.ge [sflag:s29], $0x1  }
0xbb: {  	[sflag:s29] =	ssyncadd.s32 $0xFFFFFFFF  }
0xbc: {  	_ =	strace $0x90000048  }
0xbd: {  	_ =	sfence  }
0xbe: {  	s30 =	sld [smem:$0x0];
	_ =	sdelay $0x2  }
0xbf: {  	s31 =	sshll.u32 s1, $0xD;
	s1 =	sshrl.u32 s1, $0x2  }
0xc0: {  	s3 =	sand.u32 $0x4000, s31;
	s1 =	sadd.s32 s1, s30  }
0xc1: {  	s0 =	sor.u32 s3, s0;
	s1 =	sshll.u32 s1, $0x11  }
0xc2: {  	s0 =	sor.u32 s1, s0  }
0xc3: {  	s0 =	sadd.s32 $0x8F2B, s0  }
0xc4: {  	[sflag:s0] =	ssyncadd.remote.s32 $0x1  }
0xc5: {  	_ =	sfence.sel $0xFFFF  }
0xc6: {  	[dreg:$0x0] =	wrdreg $0xFFFFFFFF;
	(pc) =	sbr.abs _section_cstart, $3  }
0xc7: {  	[dreg:$0x1] =	wrdreg $0xFFFFFFFF  }
0xc8: {  	_ =	task.clear_ibuf [dreg:s7], $0x2FFFF;
	_ =	strace $0x9FFFFFFF  }
0xc9: {  	(tm) =	ssettm $0x7FFFFFFF  }
tec
execute0_lowered:
.L_overlay_start_1:
0x0: {  	(tag) =	ssettag $0x1  }
0x1: {  	s0 =	srdreg.scid  }
0x2: {  	s13 =	stileid.u32;
	s28 =	sand.u32 $0x1, s0  }
0x3: {  	s1 =	rddreg [dreg:$0x0];
	s25 =	sshll.u32 s13, $0x9;
	s3 =	sshll.u32 s28, $0x8  }
0x4: {  	s26 =	rddreg [dreg:$0x1];
	s12 =	sor.u32 s3, s25  }
0x5: {  	s2 =	rddreg [dreg:$0x2];
	s3 =	simm.s32 $0x0;
	s4 =	sshrl.u32 s12, $0x3  }
0x6: {  	s5 =	simm.s32 $0x2;
	[smem:$0x7FF] =	sst s3;
	s4 =	sadd.s32 s4, s26  }
0x7: {  	s0 =	rddreg [dreg:$0x3];
	_ =	strace $0x80000047;
	s4 =	sadd.s32 $0x1000, s4  }
0x8: {  	[tilespmem:s3], [sflag:$0x2] =	stream.linear.gather [hbm4b:s4+s3], $0x100, $0x38;
	[tilespmem:$0x8400] =	vst v63  }
0x9: {  	_ =	swait.ge [sflag:s5], $0x100  }
0xa: {  	[sflag:s5] =	ssyncset.done $0x0  }
0xb: {  	s7 =	simm.s32 $0x8100;
	s6 =	sadd.s32 $0x1800, s26;
	[sflag:s5] =	ssyncadd.s32 $0xFFFFFF00  }
0xc: {  	[tilespmem:s7], [sflag:$0x2] =	stream.linear.gather [hbm4b:s6+s3], $0x100, $0x38;
	[tilespmem:$0x8400] =	vst v63  }
0xd: {  	_ =	swait.ge [sflag:s5], $0x100  }
0xe: {  	s8 =	simm.s32 $0x80;
	[sflag:s5] =	ssyncset.done $0x0  }
0xf: {  	s9 =	simm.s32 $0x100;
	s10 =	simm.s32 $0x1;
	[sflag:s5] =	ssyncadd.s32 $0xFFFFFF00  }
0x10: {  	[tilespmem:s9], [sflag:$0x1] =	stream.indirect.gather [hbm4b:s1+s8], $0x80, s3, s8, $0xb8;
	[tilespmem:$0x8400] =	vst v63  }
0x11: {  	_ =	swait.ge [sflag:s10], $0x4000  }
0x12: {  	[sflag:s10] =	ssyncset.done $0x0  }
0x13: {  	s11 =	simm.s32 $0x4100;
	[sflag:s10] =	ssyncadd.s32 $0xFFFFC000  }
0x14: {  	[tilespmem:s11], [sflag:$0x1] =	stream.indirect.gather [hbm4b:s1+s8], $0x80, s8, s8, $0xb8;
	[tilespmem:$0x8400] =	vst v63  }
0x15: {  	s12 =	sshll.u32 s12, $0x4;
	_ =	swait.ge [sflag:s10], $0x4000  }
0x16: {  	s12 =	sadd.s32 s12, s26;
	[sflag:s10] =	ssyncset.done $0x0  }
0x17: {  	s12 =	sadd.s32 $0x1A00, s12;
	[sflag:s10] =	ssyncadd.s32 $0xFFFFC000  }
0x18: {  	[hbm4b:s12+s3] =	stream.linear.scatter [tilespmem:s9], [sflag:$0x2], $0x8000, $0x38;
	[tilespmem:$0x8400] =	vst v63  }
0x19: {  	_ =	swait.ge [sflag:s5], $0x8000  }
0x1a: {  	p0 =	sne.s32 s13, $0x0;
	[sflag:s5] =	ssyncset.done $0x0  }
0x1b: {  	s13 =	simm.s32 @p0 $0x8100;
	s14 =	simm.s32 @p0 $0x2;
	[sflag:s5] =	ssyncadd.s32 $0xFFFF8000  }
0x1c: {  	s15 =	simm.s32 @p0 $0x80;
	s16 =	simm.s32 @p0 $0x0;
	[bflag:$0x0] =	sbarrier.arrive @p0 $0xFFFF  }
0x1d: {  	[spmem:s2] =	stream.indirect.scatter.add.f32 @p0 [tilespmem:s13], [sflag:$0x2], $0x1, s16, s15, $0xb8;
	[tilespmem:$0x8400] =	vst v63  }
0x1e: {  	_ =	swait.ge @p0 [sflag:s14], $0x80  }
0x1f: {  	[sflag:s14] =	ssyncset.done @p0 $0x0  }
0x20: {  	s17 =	simm.s32 @p0 $0x8180;
	[sflag:s14] =	ssyncadd.s32 @p0 $0xFFFFFF80  }
0x21: {  	[spmem:s2] =	stream.indirect.scatter.add.f32 @p0 [tilespmem:s17], [sflag:$0x2], $0x1, s15, s15, $0xb8;
	[tilespmem:$0x8400] =	vst v63  }
0x22: {  	_ =	swait.ge @p0 [sflag:s14], $0x80  }
0x23: {  	[sflag:s14] =	ssyncset.done @p0 $0x0  }
0x24: {  	s18 =	sadd.s32 $0x1400, s26;
	s20 =	sshrl.u32 @!p0 s2, $0x3;
	[sflag:s14] =	ssyncadd.s32 @p0 $0xFFFFFF80  }
0x25: {  	s21 =	simm.s32 @!p0 $0x1C02;
	s19 =	simm.s32 @!p0 $0x2;
	[bflag:$0x0] =	sbarrier.arrive @p0 $0xFFFF  }
0x26: {  	[spmem:s20], [sflag:s21] =	dma.local @!p0 [hbm:s18], $0x400  }
0x27: {  	_ =	swait.ge @!p0 [sflag:s19], $0x400  }
0x28: {  	[sflag:s19] =	ssyncset.done @!p0 $0x0  }
0x29: {  	s22 =	simm.s32 @!p0 $0x8100;
	s23 =	simm.s32 @!p0 $0x80;
	[sflag:s19] =	ssyncadd.s32 @!p0 $0xFFFFFC00  }
0x2a: {  	s24 =	simm.s32 @!p0 $0x0;
	s29 =	ssub.s32 $0x2, s28;
	[bflag:$0x0] =	sbarrier.arrive @!p0 $0xFFFF  }
0x2b: {  	[spmem:s2] =	stream.indirect.scatter.add.f32 @!p0 [tilespmem:s22], [sflag:$0x2], $0x1, s24, s23, $0xb8;
	[tilespmem:$0x8400] =	vst v63  }
0x2c: {  	s28 =	sshll.u32 s28, $0x4;
	s30 =	sshrl.u32 s29, $0x1;
	_ =	swait.ge @!p0 [sflag:s19], $0x80  }
0x2d: {  	s25 =	simm.s32 @!p0 $0x8180;
	s29 =	ssub.s32 s29, s30;
	[sflag:s19] =	ssyncset.done @!p0 $0x0  }
0x2e: {  	s26 =	sadd.s32 s28, s26;
	s28 =	smax.u32 s29, $0x1;
	[sflag:s19] =	ssyncadd.s32 @!p0 $0xFFFFFF80  }
0x2f: {  	[spmem:s2] =	stream.indirect.scatter.add.f32 @!p0 [tilespmem:s25], [sflag:$0x2], $0x1, s23, s23, $0xb8;
	[tilespmem:$0x8400] =	vst v63  }
0x30: {  	s28 =	sadd.s32 $0xFFFFFFFF, s28;
	_ =	swait.ge @!p0 [sflag:s19], $0x80  }
0x31: {  	s31 =	simm.s32 @!p0 $0x20;
	p1 =	sne.s32 s28, $0x0;
	[sflag:s19] =	ssyncset.done @!p0 $0x0  }
.Ltmp0:
0x32: {  	s30 =	simm.s32 @!p0 $0x1;
	[sflag:s19] =	ssyncadd.s32 @!p0 $0xFFFFFF80;
	(pc) =	sbr.rel @!p1 .LBB2_2-.Ltmp0, $4  }
0x33: {  	s29 =	simm.s32 @!p0 $0x10;
	s26 =	sadd.s32 $0x21A00, s26;
	[bflag:$0x0] =	sbarrier.arrive @!p0 $0xFFFF  }
0x34: {  	[hbm:s26@s31], [sflag:s21] =	dma.strided @!p0 [spmem:s20@s29], $0x400, s30, $0x10   }
0x35: {  	_ =	swait.ge @!p0 [sflag:s19], $0x400  }
0x36: {  	[sflag:s19] =	ssyncset.done @!p0 $0x0  }
.LBB2_1:
0x37: {  	s28 =	sadd.s32 $0xFFFFFFFF, s28;
	[sflag:s19] =	ssyncadd.s32 @!p0 $0xFFFFFC00  }
0x38: {  	[tilespmem:s3], [sflag:$0x2] =	stream.linear.gather [hbm4b:s4+s3], $0x100, $0x38;
	[tilespmem:$0x8400] =	vst v63  }
0x39: {  	p1 =	sne.s32 s28, $0x0;
	_ =	swait.ge [sflag:s5], $0x100  }
0x3a: {  	[sflag:s5] =	ssyncset.done $0x0  }
0x3b: {  	[sflag:s5] =	ssyncadd.s32 $0xFFFFFF00  }
0x3c: {  	[tilespmem:s7], [sflag:$0x2] =	stream.linear.gather [hbm4b:s6+s3], $0x100, $0x38;
	[tilespmem:$0x8400] =	vst v63  }
0x3d: {  	_ =	swait.ge [sflag:s5], $0x100  }
0x3e: {  	[sflag:s5] =	ssyncset.done $0x0  }
0x3f: {  	[sflag:s5] =	ssyncadd.s32 $0xFFFFFF00  }
0x40: {  	[tilespmem:s9], [sflag:$0x1] =	stream.indirect.gather [hbm4b:s1+s8], $0x80, s3, s8, $0xb8;
	[tilespmem:$0x8400] =	vst v63  }
0x41: {  	_ =	swait.ge [sflag:s10], $0x4000  }
0x42: {  	[sflag:s10] =	ssyncset.done $0x0  }
0x43: {  	[sflag:s10] =	ssyncadd.s32 $0xFFFFC000  }
0x44: {  	[tilespmem:s11], [sflag:$0x1] =	stream.indirect.gather [hbm4b:s1+s8], $0x80, s8, s8, $0xb8;
	[tilespmem:$0x8400] =	vst v63  }
0x45: {  	_ =	swait.ge [sflag:s10], $0x4000  }
0x46: {  	[sflag:s10] =	ssyncset.done $0x0  }
0x47: {  	[sflag:s10] =	ssyncadd.s32 $0xFFFFC000  }
0x48: {  	[hbm4b:s12+s3] =	stream.linear.scatter [tilespmem:s9], [sflag:$0x2], $0x8000, $0x38;
	[tilespmem:$0x8400] =	vst v63  }
0x49: {  	_ =	swait.ge [sflag:s5], $0x8000  }
0x4a: {  	[sflag:s5] =	ssyncset.done $0x0  }
0x4b: {  	[sflag:s5] =	ssyncadd.s32 $0xFFFF8000  }
0x4c: {  	[bflag:$0x0] =	sbarrier.arrive @p0 $0xFFFF  }
0x4d: {  	[spmem:s2] =	stream.indirect.scatter.add.f32 @p0 [tilespmem:s13], [sflag:$0x2], $0x1, s16, s15, $0xb8;
	[tilespmem:$0x8400] =	vst v63  }
0x4e: {  	_ =	swait.ge @p0 [sflag:s14], $0x80  }
0x4f: {  	[sflag:s14] =	ssyncset.done @p0 $0x0  }
0x50: {  	[sflag:s14] =	ssyncadd.s32 @p0 $0xFFFFFF80  }
0x51: {  	[spmem:s2] =	stream.indirect.scatter.add.f32 @p0 [tilespmem:s17], [sflag:$0x2], $0x1, s15, s15, $0xb8;
	[tilespmem:$0x8400] =	vst v63  }
0x52: {  	_ =	swait.ge @p0 [sflag:s14], $0x80  }
0x53: {  	[sflag:s14] =	ssyncset.done @p0 $0x0  }
0x54: {  	[sflag:s14] =	ssyncadd.s32 @p0 $0xFFFFFF80  }
0x55: {  	[bflag:$0x0] =	sbarrier.arrive @p0 $0xFFFF  }
0x56: {  	[spmem:s20], [sflag:s21] =	dma.local @!p0 [hbm:s18], $0x400  }
0x57: {  	_ =	swait.ge @!p0 [sflag:s19], $0x400  }
0x58: {  	[sflag:s19] =	ssyncset.done @!p0 $0x0  }
0x59: {  	[sflag:s19] =	ssyncadd.s32 @!p0 $0xFFFFFC00  }
0x5a: {  	[bflag:$0x0] =	sbarrier.arrive @!p0 $0xFFFF  }
0x5b: {  	[spmem:s2] =	stream.indirect.scatter.add.f32 @!p0 [tilespmem:s22], [sflag:$0x2], $0x1, s24, s23, $0xb8;
	[tilespmem:$0x8400] =	vst v63  }
0x5c: {  	_ =	swait.ge @!p0 [sflag:s19], $0x80  }
0x5d: {  	[sflag:s19] =	ssyncset.done @!p0 $0x0  }
0x5e: {  	[sflag:s19] =	ssyncadd.s32 @!p0 $0xFFFFFF80  }
0x5f: {  	[spmem:s2] =	stream.indirect.scatter.add.f32 @!p0 [tilespmem:s25], [sflag:$0x2], $0x1, s23, s23, $0xb8;
	[tilespmem:$0x8400] =	vst v63  }
0x60: {  	_ =	swait.ge @!p0 [sflag:s19], $0x80  }
0x61: {  	[sflag:s19] =	ssyncset.done @!p0 $0x0  }
.Ltmp1:
0x62: {  	[sflag:s19] =	ssyncadd.s32 @!p0 $0xFFFFFF80;
	(pc) =	sbr.rel @p1 .LBB2_1-.Ltmp1, $4  }
0x63: {  	[bflag:$0x0] =	sbarrier.arrive @!p0 $0xFFFF  }
0x64: {  	[hbm:s26@s31], [sflag:s21] =	dma.strided @!p0 [spmem:s20@s29], $0x400, s30, $0x10   }
0x65: {  	_ =	swait.ge @!p0 [sflag:s19], $0x400  }
0x66: {  	[sflag:s19] =	ssyncset.done @!p0 $0x0  }
.LBB2_2:
0x67: {  	[sflag:s19] =	ssyncadd.s32 @!p0 $0xFFFFFC00  }
0x68: {  	_ =	sfence.sel $0x180000  }
0x69: {  	[bflag:$0x0] =	sbarrier.arrive $0xFFFF  }
0x6a: {  	_ =	strace $0x90000047  }
0x6b: {  	s0 =	sadd.s32 @!p0 $0x100000, s0;
	[bflag:$0x2] =	sbarrier.arrive $0xFFFF  }
0x6c: {  	[sflag:s0] =	ssyncadd.tile.s32 @!p0 $0x1;
	_ =	shalt  }
.Lfunc_end2:
_tile_overlayer_lowered:
.L_overlay_start_2:
0x6d: {  	(tag) =	ssettag $0x2  }
0x6e: {  	s0 =	rddreg [dreg:$0x0];
	s2 =	stileid.u32  }
0x6f: {  	s1 =	rddreg [dreg:$0x1];
	p0 =	sne.s32 s2, $0x0  }
0x70: {  	s3 =	rddreg [dreg:$0x2];
	[bflag:$0x3] =	sbarrier.arrive $0xFFFF;
	s2 =	simm.s32 @!p0 $0x1C02  }
0x71: {  	[timem:s3], [sflag:s2] =	dma.local @!p0 [hbm:s0], s1  }
0x72: {  	s0 =	simm.s32 @!p0 $0x2  }
0x73: {  	_ =	swait.ge @!p0 [sflag:s0], s1  }
0x74: {  	s1 =	ssub.s32 @!p0 $0x0, s1;
	[sflag:s0] =	ssyncset.done @!p0 $0x0  }
0x75: {  	[sflag:s0] =	ssyncadd.s32 @!p0 s1  }
0x76: {  	[bflag:$0x3] =	sbarrier.arrive $0xFFFF  }
0x77: {  	_ =	shalt  }

</sc_bundles>
